<compile_context>
chip_gen: v7x
topology: tpu7x:2x2x1
jax: 0.10.2.dev20260603
libtpu: 0.0.44.dev20260713+nightly
codegen_flags: <defaults>
</compile_context>

<pallas_src>
import functools

import jax
import jax.numpy as jnp
from jax import lax
from jax.experimental import pallas as pl
from jax.experimental.pallas import tpu as pltpu
from jax.experimental.pallas import tpu_sc as plsc

HID = 256
HALF = 128
N_MESH = 10000
N_GRID = 10000
N_EDGE = 160000
NPAD = 10112
NSUB = 16
ROWS_PER_SUB = NPAD // NSUB
CH = 128
SUB_CHM = 40
SUB_CH = 80
EP2 = CH * SUB_CH * NSUB
EB = 1600
RB = 400


def _pack_bf16(x):
    lo = x[:, :HALF].astype(jnp.bfloat16)
    hi = x[:, HALF:].astype(jnp.bfloat16)
    lo32 = jax.lax.bitcast_convert_type(lo, jnp.int16).astype(jnp.int32)
    hi32 = jax.lax.bitcast_convert_type(hi, jnp.int16).astype(jnp.int32)
    return (lo32 & 0xFFFF) | (hi32 << 16)


def _unpack_bf16(x):
    lo = jax.lax.bitcast_convert_type(x << 16, jnp.float32)
    hi = jax.lax.bitcast_convert_type((x >> 16) << 16, jnp.float32)
    return lo, hi


def _proj_body(mesh_f, grid_f, w1s, w1d, tmp_o, tgp_o, tmesh_o):
    bf = jnp.bfloat16
    mesh_blk = mesh_f[...]
    mp = _pack_bf16(jnp.dot(mesh_blk.astype(bf), w1s[...].astype(bf),
                            preferred_element_type=jnp.float32))
    gp = _pack_bf16(jnp.dot(grid_f[...].astype(bf), w1d[...].astype(bf),
                            preferred_element_type=jnp.float32))
    tmp_o[0] = mp
    tmp_o[1] = mp
    tgp_o[0] = gp
    tgp_o[1] = gp
    tmesh_o[0] = mesh_blk[:, :HALF]
    tmesh_o[1] = mesh_blk[:, HALF:]


def _proj_tables(mesh, grid, w1s, w1d):
    nb = N_MESH // RB
    return pl.pallas_call(
        _proj_body,
        grid=(nb,),
        in_specs=[
            pl.BlockSpec((RB, HID), lambda r: (r, 0)),
            pl.BlockSpec((RB, HID), lambda r: (r, 0)),
            pl.BlockSpec((HID, HID), lambda r: (0, 0)),
            pl.BlockSpec((HID, HID), lambda r: (0, 0)),
        ],
        out_specs=[
            pl.BlockSpec((2, RB, HALF), lambda r: (0, r, 0)),
            pl.BlockSpec((2, RB, HALF), lambda r: (0, r, 0)),
            pl.BlockSpec((2, RB, HALF), lambda r: (0, r, 0)),
        ],
        out_shape=[
            jax.ShapeDtypeStruct((2, NPAD, HALF), jnp.int32),
            jax.ShapeDtypeStruct((2, NPAD, HALF), jnp.int32),
            jax.ShapeDtypeStruct((2, NPAD, HALF), jnp.float32),
        ],
    )(mesh, grid, w1s, w1d)


def _sc_mpgp_body(tmp_h, tgp_h, srcm_h, dstm_h,
                  mp_o, gp_o,
                  idx_s0, idx_s1, idx_d0, idx_d1,
                  bmp0, bmp1, bgp0, bgp1,
                  sem_i0, sem_i1, sem_g0, sem_g1, sem_w0, sem_w1):
    c = lax.axis_index("c")
    s = lax.axis_index("s")
    mb = (s * 2 + c) * SUB_CHM
    nch = SUB_CHM
    idx_s = [idx_s0, idx_s1]
    idx_d = [idx_d0, idx_d1]
    bmp = [bmp0, bmp1]
    bgp = [bgp0, bgp1]
    sem_i = [sem_i0, sem_i1]
    sem_g = [sem_g0, sem_g1]
    sem_w = [sem_w0, sem_w1]

    def issue_idx(b, i):
        base = c * EP2 + (mb + i) * CH
        pltpu.async_copy(srcm_h.at[pl.ds(base, CH)], idx_s[b], sem_i[b])
        pltpu.async_copy(dstm_h.at[pl.ds(base, CH)], idx_d[b], sem_i[b])

    def wait_idx(b):
        pltpu.make_async_copy(srcm_h.at[pl.ds(0, CH)], idx_s[b],
                              sem_i[b]).wait()
        pltpu.make_async_copy(dstm_h.at[pl.ds(0, CH)], idx_d[b],
                              sem_i[b]).wait()

    def wait_writes(b):
        pltpu.make_async_copy(bmp[b], mp_o.at[pl.ds(0, CH)], sem_w[b]).wait()
        pltpu.make_async_copy(bgp[b], gp_o.at[pl.ds(0, CH)], sem_w[b]).wait()

    def wait_gathers(b):
        pltpu.make_async_copy(tmp_h.at[idx_s[b]], bmp[b], sem_g[b]).wait()
        pltpu.make_async_copy(tgp_h.at[idx_d[b]], bgp[b], sem_g[b]).wait()

    def drain_prev(b, i):
        wait_gathers(b)
        base = (mb + i - 1) * CH
        pltpu.async_copy(bmp[b], mp_o.at[pl.ds(base, CH)], sem_w[b])
        pltpu.async_copy(bgp[b], gp_o.at[pl.ds(base, CH)], sem_w[b])

    issue_idx(0, 0)
    issue_idx(1, 1)

    def pair(g, carry):
        for b in range(2):
            i = 2 * g + b
            wait_idx(b)

            @pl.when(g >= 1)
            def _free_slot():
                wait_writes(b)

            pltpu.async_copy(tmp_h.at[idx_s[b]], bmp[b], sem_g[b])
            pltpu.async_copy(tgp_h.at[idx_d[b]], bgp[b], sem_g[b])

            if b == 1:
                drain_prev(0, i)
                @pl.when(g < nch // 2 - 1)
                def _pf():
                    issue_idx(0, i + 1)
            else:
                @pl.when(g >= 1)
                def _dp():
                    drain_prev(1, i)
                    issue_idx(1, i + 1)
        return carry

    lax.fori_loop(0, nch // 2, pair, 0)
    wait_gathers(1)
    basel = (mb + nch - 1) * CH
    pltpu.async_copy(bmp[1], mp_o.at[pl.ds(basel, CH)], sem_w[1])
    pltpu.async_copy(bgp[1], gp_o.at[pl.ds(basel, CH)], sem_w[1])
    wait_writes(0)
    wait_writes(1)


def _sc_mpgp(tmp, tgp, srcm, dstm):
    mesh = plsc.VectorSubcoreMesh(core_axis_name="c", subcore_axis_name="s")
    f = functools.partial(
        pl.kernel, _sc_mpgp_body, mesh=mesh,
        out_type=[
            jax.ShapeDtypeStruct((EP2, HALF), jnp.int32),
            jax.ShapeDtypeStruct((EP2, HALF), jnp.int32),
        ],
        scratch_types=[
            pltpu.VMEM((CH,), jnp.int32),
            pltpu.VMEM((CH,), jnp.int32),
            pltpu.VMEM((CH,), jnp.int32),
            pltpu.VMEM((CH,), jnp.int32),
            pltpu.VMEM((CH, HALF), jnp.int32),
            pltpu.VMEM((CH, HALF), jnp.int32),
            pltpu.VMEM((CH, HALF), jnp.int32),
            pltpu.VMEM((CH, HALF), jnp.int32),
            pltpu.SemaphoreType.DMA,
            pltpu.SemaphoreType.DMA,
            pltpu.SemaphoreType.DMA,
            pltpu.SemaphoreType.DMA,
            pltpu.SemaphoreType.DMA,
            pltpu.SemaphoreType.DMA,
        ],
    )()
    return f(tmp, tgp, srcm, dstm)


def _sc_aggs_body(tmesh_h, srcp_h, dstw_h, zeros_h, aggs_o,
                  idx_t0, idx_t1, idx_w0, idx_w1, bme0, bme1, accum,
                  sem_i0, sem_i1, sem_g0, sem_g1, sem_s0, sem_s1):
    c = lax.axis_index("c")
    s = lax.axis_index("s")
    tb = SUB_CH * s
    idx_t = [idx_t0, idx_t1]
    idx_w = [idx_w0, idx_w1]
    bme = [bme0, bme1]
    sem_i = [sem_i0, sem_i1]
    sem_g = [sem_g0, sem_g1]
    sem_s = [sem_s0, sem_s1]

    pltpu.sync_copy(zeros_h, accum.at[pl.ds(s * ROWS_PER_SUB, ROWS_PER_SUB)])
    plsc.subcore_barrier()

    def issue_idx(b, i):
        base = (tb + i) * CH
        pltpu.async_copy(srcp_h.at[pl.ds(c * EP2 + base, CH)], idx_t[b],
                         sem_i[b])
        pltpu.async_copy(dstw_h.at[pl.ds(base, CH)], idx_w[b].at[0], sem_i[b])

    def wait_idx(b):
        pltpu.make_async_copy(srcp_h.at[pl.ds(0, CH)], idx_t[b],
                              sem_i[b]).wait()
        pltpu.make_async_copy(dstw_h.at[pl.ds(0, CH)], idx_w[b].at[0],
                              sem_i[b]).wait()

    def wait_scatter(b):
        pltpu.make_async_copy(bme[b], accum.at[idx_w[b].at[0]],
                              sem_s[b]).wait()

    def wait_gather(b):
        pltpu.make_async_copy(tmesh_h.at[idx_t[b]], bme[b], sem_g[b]).wait()

    def drain_prev(b):
        wait_gather(b)
        pltpu.async_copy(bme[b], accum.at[idx_w[b].at[0]], sem_s[b], add=True)

    issue_idx(0, 0)
    issue_idx(1, 1)

    def pair(g, carry):
        for b in range(2):
            i = 2 * g + b
            wait_idx(b)

            @pl.when(g >= 1)
            def _free_slot():
                wait_scatter(b)

            pltpu.async_copy(tmesh_h.at[idx_t[b]], bme[b], sem_g[b])

            if b == 1:
                drain_prev(0)
                @pl.when(g < SUB_CH // 2 - 1)
                def _pf():
                    issue_idx(0, i + 1)
            else:
                @pl.when(g >= 1)
                def _dp():
                    drain_prev(1)
                    issue_idx(1, i + 1)
        return carry

    lax.fori_loop(0, SUB_CH // 2, pair, 0)
    drain_prev(1)
    wait_scatter(0)
    wait_scatter(1)
    plsc.subcore_barrier()
    r0 = s * ROWS_PER_SUB
    pltpu.sync_copy(accum.at[pl.ds(r0, ROWS_PER_SUB)],
                    aggs_o.at[c, pl.ds(r0, ROWS_PER_SUB)])


def _sc_aggs(tmesh, srcp, dstw, zeros):
    mesh = plsc.VectorSubcoreMesh(core_axis_name="c", subcore_axis_name="s")
    f = functools.partial(
        pl.kernel, _sc_aggs_body, mesh=mesh,
        out_type=jax.ShapeDtypeStruct((2, NPAD, HALF), jnp.float32),
        scratch_types=[
            pltpu.VMEM((CH,), jnp.int32),
            pltpu.VMEM((CH,), jnp.int32),
            pltpu.VMEM((1, CH), jnp.int32),
            pltpu.VMEM((1, CH), jnp.int32),
            pltpu.VMEM((CH, HALF), jnp.float32),
            pltpu.VMEM((CH, HALF), jnp.float32),
            pltpu.VMEM_SHARED((NPAD, HALF), jnp.float32),
            pltpu.SemaphoreType.DMA,
            pltpu.SemaphoreType.DMA,
            pltpu.SemaphoreType.DMA,
            pltpu.SemaphoreType.DMA,
            pltpu.SemaphoreType.DMA,
            pltpu.SemaphoreType.DMA,
        ],
    )()
    return f(tmesh, srcp, dstw, zeros)


def _edge_body(e_r, mp_r, gp_r, w1e_r, w2_r, b1_r, b2_r, g_r, bt_r, out_r):
    e_blk = e_r[...]
    f32 = jnp.float32
    mpl, mph = _unpack_bf16(mp_r[...])
    gpl, gph = _unpack_bf16(gp_r[...])
    gath = jnp.concatenate([mpl + gpl, mph + gph], axis=1)
    pre = jnp.dot(e_blk.astype(jnp.bfloat16), w1e_r[...].astype(jnp.bfloat16),
                  preferred_element_type=f32)
    pre = pre + gath + b1_r[...]
    h = pre * jax.nn.sigmoid(pre)
    h2 = jnp.dot(h.astype(jnp.bfloat16), w2_r[...].astype(jnp.bfloat16),
                 preferred_element_type=f32) + b2_r[...]
    mu = jnp.mean(h2, axis=-1, keepdims=True)
    var = jnp.mean((h2 - mu) ** 2, axis=-1, keepdims=True)
    ef = (h2 - mu) / jnp.sqrt(var + 1e-5) * g_r[...] + bt_r[...] + e_blk
    out_r[0] = ef[:, :HALF]
    out_r[1] = ef[:, HALF:]


def _edge_mlp(e, mp_g, gp_g, w1e, w2, b1, b2, g, bt):
    nb = N_EDGE // EB
    return pl.pallas_call(
        _edge_body,
        grid=(nb,),
        in_specs=[
            pl.BlockSpec((EB, HID), lambda k: (k, 0)),
            pl.BlockSpec((EB, HALF), lambda k: (k, 0)),
            pl.BlockSpec((EB, HALF), lambda k: (k, 0)),
            pl.BlockSpec((HID, HID), lambda k: (0, 0)),
            pl.BlockSpec((HID, HID), lambda k: (0, 0)),
            pl.BlockSpec((1, HID), lambda k: (0, 0)),
            pl.BlockSpec((1, HID), lambda k: (0, 0)),
            pl.BlockSpec((1, HID), lambda k: (0, 0)),
            pl.BlockSpec((1, HID), lambda k: (0, 0)),
        ],
        out_specs=pl.BlockSpec((2, EB, HALF), lambda k: (0, k, 0)),
        out_shape=jax.ShapeDtypeStruct((2, EP2, HALF), jnp.float32),
    )(e, mp_g, gp_g, w1e, w2, b1, b2, g, bt)


def _sc_scatter_body(ef_h, dstw_h, zeros_h, agge_o,
                     idx_w0, idx_w1, buf0, buf1, accum,
                     sem_i0, sem_i1, sem_l0, sem_l1, sem_s0, sem_s1):
    c = lax.axis_index("c")
    s = lax.axis_index("s")
    cb = SUB_CH * s
    idx_w = [idx_w0, idx_w1]
    buf = [buf0, buf1]
    sem_i = [sem_i0, sem_i1]
    sem_l = [sem_l0, sem_l1]
    sem_s = [sem_s0, sem_s1]

    pltpu.sync_copy(zeros_h, accum.at[pl.ds(s * ROWS_PER_SUB, ROWS_PER_SUB)])
    plsc.subcore_barrier()

    def issue(b, i):
        base = (cb + i) * CH
        pltpu.async_copy(dstw_h.at[pl.ds(base, CH)], idx_w[b].at[0], sem_i[b])
        pltpu.async_copy(ef_h.at[c, pl.ds(base, CH)], buf[b], sem_l[b])

    def wait_loads(b):
        pltpu.make_async_copy(dstw_h.at[pl.ds(0, CH)], idx_w[b].at[0],
                              sem_i[b]).wait()
        pltpu.make_async_copy(ef_h.at[0, pl.ds(0, CH)], buf[b],
                              sem_l[b]).wait()

    def wait_scatter(b):
        pltpu.make_async_copy(buf[b], accum.at[idx_w[b].at[0]],
                              sem_s[b]).wait()

    issue(0, 0)
    issue(1, 1)

    def pair(g, carry):
        for b in range(2):
            i = 2 * g + b
            wait_loads(b)
            pltpu.async_copy(buf[b], accum.at[idx_w[b].at[0]], sem_s[b],
                             add=True)
            if b == 1:
                wait_scatter(0)
                @pl.when(g < SUB_CH // 2 - 1)
                def _pf():
                    issue(0, i + 1)
            else:
                @pl.when(g >= 1)
                def _dp():
                    wait_scatter(1)
                    issue(1, i + 1)
        return carry

    lax.fori_loop(0, SUB_CH // 2, pair, 0)
    wait_scatter(1)
    plsc.subcore_barrier()
    r0 = s * ROWS_PER_SUB
    pltpu.sync_copy(accum.at[pl.ds(r0, ROWS_PER_SUB)],
                    agge_o.at[c, pl.ds(r0, ROWS_PER_SUB)])


def _sc_scatter(ef, dstw, zeros):
    mesh = plsc.VectorSubcoreMesh(core_axis_name="c", subcore_axis_name="s")
    f = functools.partial(
        pl.kernel, _sc_scatter_body, mesh=mesh,
        out_type=jax.ShapeDtypeStruct((2, NPAD, HALF), jnp.float32),
        scratch_types=[
            pltpu.VMEM((1, CH), jnp.int32),
            pltpu.VMEM((1, CH), jnp.int32),
            pltpu.VMEM((CH, HALF), jnp.float32),
            pltpu.VMEM((CH, HALF), jnp.float32),
            pltpu.VMEM_SHARED((NPAD, HALF), jnp.float32),
            pltpu.SemaphoreType.DMA,
            pltpu.SemaphoreType.DMA,
            pltpu.SemaphoreType.DMA,
            pltpu.SemaphoreType.DMA,
            pltpu.SemaphoreType.DMA,
            pltpu.SemaphoreType.DMA,
        ],
    )()
    return f(ef, dstw, zeros)


def _node_body(as_r, ae_r, grid_r, w1s_r, w1e_r, w2_r, b1_r, b2_r, g_r, bt_r,
               out_r):
    a_s = jnp.concatenate([as_r[0], as_r[1]], axis=1)
    a_e = jnp.concatenate([ae_r[0], ae_r[1]], axis=1)
    n1 = (jnp.dot(a_s, w1s_r[...], preferred_element_type=jnp.float32)
          + jnp.dot(a_e, w1e_r[...], preferred_element_type=jnp.float32)
          + b1_r[...])
    h = n1 * jax.nn.sigmoid(n1)
    n2 = jnp.dot(h, w2_r[...], preferred_element_type=jnp.float32) + b2_r[...]
    mu = jnp.mean(n2, axis=-1, keepdims=True)
    var = jnp.mean((n2 - mu) ** 2, axis=-1, keepdims=True)
    out_r[...] = (n2 - mu) / jnp.sqrt(var + 1e-5) * g_r[...] + bt_r[...] \
        + grid_r[...]


def _node_mlp(agg_s, agg_e, grid, w1s, w1e, w2, b1, b2, g, bt):
    nb = N_GRID // RB
    return pl.pallas_call(
        _node_body,
        grid=(nb,),
        in_specs=[
            pl.BlockSpec((2, RB, HALF), lambda r: (0, r, 0)),
            pl.BlockSpec((2, RB, HALF), lambda r: (0, r, 0)),
            pl.BlockSpec((RB, HID), lambda r: (r, 0)),
            pl.BlockSpec((HID, HID), lambda r: (0, 0)),
            pl.BlockSpec((HID, HID), lambda r: (0, 0)),
            pl.BlockSpec((HID, HID), lambda r: (0, 0)),
            pl.BlockSpec((1, HID), lambda r: (0, 0)),
            pl.BlockSpec((1, HID), lambda r: (0, 0)),
            pl.BlockSpec((1, HID), lambda r: (0, 0)),
            pl.BlockSpec((1, HID), lambda r: (0, 0)),
        ],
        out_specs=pl.BlockSpec((RB, HID), lambda r: (r, 0)),
        out_shape=jax.ShapeDtypeStruct((N_GRID, HID), jnp.float32),
    )(agg_s, agg_e, grid, w1s, w1e, w2, b1, b2, g, bt)


def kernel(mesh2grid_edge_features, grid_node_features, mesh_node_features,
           mesh2graph_edge_indices_src, mesh2graph_edge_indices_dst,
           eW1, eb1, eW2, eb2, eg, ebt, nW1, nb1, nW2, nb2, ng, nbt):
    e = mesh2grid_edge_features
    grid = grid_node_features
    mesh = mesh_node_features
    src = mesh2graph_edge_indices_src.astype(jnp.int32)
    dst = mesh2graph_edge_indices_dst.astype(jnp.int32)

    w1e, w1s, w1d = eW1[:HID], eW1[HID:2 * HID], eW1[2 * HID:]
    nw1s, nw1e = nW1[:HID], nW1[HID:]
    r2 = lambda v: v.reshape(1, HID)

    pad2 = EP2 - N_EDGE
    padz = jnp.zeros((pad2,), jnp.int32)
    srcm = jnp.concatenate([src, padz, src + NPAD,
                            jnp.full((pad2,), NPAD, jnp.int32)])
    dstm = jnp.concatenate([dst, padz, dst + NPAD,
                            jnp.full((pad2,), NPAD, jnp.int32)])
    srcp = jnp.concatenate([src, padz, src + NPAD,
                            jnp.full((pad2,), NPAD, jnp.int32)])
    dstw = jnp.concatenate([dst, jnp.full((pad2,), N_GRID, jnp.int32)])
    zeros = jnp.zeros((ROWS_PER_SUB, HALF), jnp.float32)

    tmp3, tgp3, tmesh3 = _proj_tables(mesh, grid, w1s, w1d)
    tmp = tmp3.reshape(2 * NPAD, HALF)
    tgp = tgp3.reshape(2 * NPAD, HALF)
    tmesh = tmesh3.reshape(2 * NPAD, HALF)

    agg_s = _sc_aggs(tmesh, srcp, dstw, zeros)
    mp_g, gp_g = _sc_mpgp(tmp, tgp, srcm, dstm)
    ef = _edge_mlp(e, mp_g, gp_g, w1e, eW2, r2(eb1), r2(eb2), r2(eg), r2(ebt))
    agg_e = _sc_scatter(ef, dstw, zeros)
    return _node_mlp(agg_s, agg_e, grid, nw1s, nw1e, nW2,
                     r2(nb1), r2(nb2), r2(ng), r2(nbt))

# --- scband reference (transcript-rebuilt; emitter-appended) ---
"""Pipeline reference for scband-graph-cast-decoder-26585847562367 (READ-ONLY COPY).

The authoritative reference and input builder live on the scoring server;
editing this copy changes nothing except your own understanding.
"""

import jax, jax.numpy as jnp
import numpy as np

HID = 256
N_MESH = 10000
N_GRID = 10000
N_EDGE = 160000

def _ln(x, g, b, eps=1e-5):
    mu = jnp.mean(x, axis=-1, keepdims=True)
    var = jnp.var(x, axis=-1, keepdims=True)
    return (x - mu) / jnp.sqrt(var + eps) * g + b

def setup_inputs(seed: int = 0) -> dict:
    key = jax.random.key(seed)
    ks = jax.random.split(key, 20)
    inp = {}
    inp['mesh2grid_edge_features'] = jax.random.normal(ks[0], (N_EDGE, HID), dtype=jnp.float32)
    inp['grid_node_features'] = jax.random.normal(ks[1], (N_GRID, HID), dtype=jnp.float32)
    inp['mesh_node_features'] = jax.random.normal(ks[2], (N_MESH, HID), dtype=jnp.float32)
    inp['mesh2graph_edge_indices_src'] = jax.random.randint(ks[3], (N_EDGE,), 0, N_MESH, dtype=jnp.int32).astype(jnp.int64)
    inp['mesh2graph_edge_indices_dst'] = jax.random.randint(ks[4], (N_EDGE,), 0, N_GRID, dtype=jnp.int32).astype(jnp.int64)
    s = 1.0 / np.sqrt(HID)
    # edge MLP: Linear(3h->h), SiLU, Linear(h->h), LayerNorm; residual
    inp['eW1'] = jax.random.normal(ks[5], (3 * HID, HID), dtype=jnp.float32) * s
    inp['eb1'] = jnp.zeros((HID,), dtype=jnp.float32)
    inp['eW2'] = jax.random.normal(ks[6], (HID, HID), dtype=jnp.float32) * s
    inp['eb2'] = jnp.zeros((HID,), dtype=jnp.float32)
    inp['eg'] = jnp.ones((HID,), dtype=jnp.float32)
    inp['ebt'] = jnp.zeros((HID,), dtype=jnp.float32)
    # node MLP: Linear(2h->h), SiLU, Linear(h->h), LayerNorm
    inp['nW1'] = jax.random.normal(ks[7], (2 * HID, HID), dtype=jnp.float32) * s
    inp['nb1'] = jnp.zeros((HID,), dtype=jnp.float32)
    inp['nW2'] = jax.random.normal(ks[8], (HID, HID), dtype=jnp.float32) * s
    inp['nb2'] = jnp.zeros((HID,), dtype=jnp.float32)
    inp['ng'] = jnp.ones((HID,), dtype=jnp.float32)
    inp['nbt'] = jnp.zeros((HID,), dtype=jnp.float32)
    return inp

def reference(mesh2grid_edge_features, grid_node_features, mesh_node_features,
              mesh2graph_edge_indices_src, mesh2graph_edge_indices_dst,
              eW1, eb1, eW2, eb2, eg, ebt,
              nW1, nb1, nW2, nb2, ng, nbt):
    src = mesh2graph_edge_indices_src
    dst = mesh2graph_edge_indices_dst
    # MeshEdgeBlock: e' = LN(MLP([e, x_src_mesh, x_dst_grid])) + e
    x_src = jnp.take(mesh_node_features, src, axis=0)
    x_dst = jnp.take(grid_node_features, dst, axis=0)
    cat_e = jnp.concatenate([mesh2grid_edge_features, x_src, x_dst], axis=-1)
    h = jax.nn.silu(cat_e @ eW1 + eb1) @ eW2 + eb2
    h = _ln(h, eg, ebt)
    e_feats = h + mesh2grid_edge_features
    # node update: aggregate edges and gathered src features to dst (grid) nodes
    n_grid = grid_node_features.shape[0]
    agg_e = jax.ops.segment_sum(e_feats, dst, num_segments=n_grid)
    agg_s = jax.ops.segment_sum(x_src, dst, num_segments=n_grid)
    cat_n = jnp.concatenate([agg_s, agg_e], axis=-1)
    n = jax.nn.silu(cat_n @ nW1 + nb1) @ nW2 + nb2
    n = _ln(n, ng, nbt)
    return grid_node_features + n

if __name__ == "__main__":
    import jax
    _d = setup_inputs()
    print(jax.jit(kernel)(*tuple(_d.values())))

</pallas_src>

<mosaic_0001>
#map = affine_map<(d0, d1) -> (0, 0, 0)>
#map1 = affine_map<(d0, d1) -> (0)>
#map2 = affine_map<(d0, d1) -> (0, 0)>
module attributes {stable_mosaic.version = 14 : i64} {
  func.func @_sc_scatter_body(%arg0: i32, %arg1: i32, %arg2: memref<2x163840x128xf32, #tpu.memory_space<hbm>>, %arg3: memref<163840xi32, #tpu.memory_space<hbm>>, %arg4: memref<632x128xf32, #tpu.memory_space<hbm>>, %arg5: memref<2x10112x128xf32, #tpu.memory_space<hbm>>, %arg6: memref<1x128xi32, #tpu.memory_space<vmem>>, %arg7: memref<1x128xi32, #tpu.memory_space<vmem>>, %arg8: memref<128x128xf32, #tpu.memory_space<vmem>>, %arg9: memref<128x128xf32, #tpu.memory_space<vmem>>, %arg10: memref<10112x128xf32, #tpu.memory_space<vmem_shared>>, %arg11: memref<!tpu.dma_semaphore, #tpu.memory_space<semaphore_mem>>, %arg12: memref<!tpu.dma_semaphore, #tpu.memory_space<semaphore_mem>>, %arg13: memref<!tpu.dma_semaphore, #tpu.memory_space<semaphore_mem>>, %arg14: memref<!tpu.dma_semaphore, #tpu.memory_space<semaphore_mem>>, %arg15: memref<!tpu.dma_semaphore, #tpu.memory_space<semaphore_mem>>, %arg16: memref<!tpu.dma_semaphore, #tpu.memory_space<semaphore_mem>>) attributes {dimension_semantics = [#tpu.dimension_semantics<core_parallel>, #tpu.dimension_semantics<subcore_parallel>], iteration_bounds = array<i64: 2, 16>, scalar_prefetch = 0 : i64, scratch_operands = 11 : i64, tpu.core_type = #tpu.core_type<sc_vector_subcore>, window_params = [{transform_indices = #map}, {transform_indices = #map1}, {transform_indices = #map2}, {transform_indices = #map}]} {
    %mul3A = arith.constant 80 : i32
    %mul3A_0 = arith.muli %mul3A, %arg1 : i32
    %mul3A_1 = arith.constant 632 : i32
    %mul3A_2 = arith.muli %arg1, %mul3A_1 : i32
    "tpu.region"() ({
      %run_scoped3A = tpu.sem_alloc : memref<!tpu.dma_semaphore, #tpu.memory_space<semaphore_mem>>
      %dma_start3A_53 = arith.constant 0 : i32
      %dma_start3A_54 = tpu.memref_slice %arg10[%mul3A_2, %dma_start3A_53] : memref<10112x128xf32, #tpu.memory_space<vmem_shared>> -> memref<632x128xf32, #tpu.memory_space<vmem_shared>>
      tpu.enqueue_dma source(%arg4 : memref<632x128xf32, #tpu.memory_space<hbm>>) target(%dma_start3A_54 : memref<632x128xf32, #tpu.memory_space<vmem_shared>>) target_semaphore(%run_scoped3A : memref<!tpu.dma_semaphore, #tpu.memory_space<semaphore_mem>>)
      %dma_wait3A_55 = arith.constant 0 : i32
      %dma_wait3A_56 = tpu.memref_slice %arg10[%mul3A_2, %dma_wait3A_55] : memref<10112x128xf32, #tpu.memory_space<vmem_shared>> -> memref<632x128xf32, #tpu.memory_space<vmem_shared>>
      tpu.wait_dma2 semaphore(%run_scoped3A : memref<!tpu.dma_semaphore, #tpu.memory_space<semaphore_mem>>) src(%arg4 : memref<632x128xf32, #tpu.memory_space<hbm>>) dst(%dma_wait3A_56 : memref<632x128xf32, #tpu.memory_space<vmem_shared>>)
      tpu.yield
    }) : () -> ()
    %barrier3A = arith.constant 0 : index
    tpu.barrier barrier_id(%barrier3A)
    %add3A = arith.constant 0 : i32
    %add3A_3 = arith.addi %mul3A_0, %add3A : i32
    %mul3A_4 = arith.constant 128 : i32
    %mul3A_5 = arith.muli %add3A_3, %mul3A_4 : i32
    %dma_start3A = arith.constant 0 : i32
    %dma_start3A_6 = arith.constant 0 : i32
    %dma_start3A_7 = tpu.memref_slice %arg6[%dma_start3A, %dma_start3A_6] : memref<1x128xi32, #tpu.memory_space<vmem>> -> memref<1x128xi32, #tpu.memory_space<vmem>>
    %dma_start3A_8 = tpu.memref_squeeze %dma_start3A_7 : memref<1x128xi32, #tpu.memory_space<vmem>> -> memref<128xi32, #tpu.memory_space<vmem>>
    %dma_start3A_9 = tpu.memref_slice %arg3[%mul3A_5] : memref<163840xi32, #tpu.memory_space<hbm>> -> memref<128xi32, #tpu.memory_space<hbm>>
    %dma_start3A_10 = arith.constant 0 : i32
    %dma_start3A_11 = tpu.memref_slice %arg6[%dma_start3A, %dma_start3A_10] : memref<1x128xi32, #tpu.memory_space<vmem>> -> memref<1x128xi32, #tpu.memory_space<vmem>>
    %dma_start3A_12 = tpu.memref_squeeze %dma_start3A_11 : memref<1x128xi32, #tpu.memory_space<vmem>> -> memref<128xi32, #tpu.memory_space<vmem>>
    %dma_start3A_13 = tpu.memref_slice %arg3[%mul3A_5] : memref<163840xi32, #tpu.memory_space<hbm>> -> memref<128xi32, #tpu.memory_space<hbm>>
    tpu.enqueue_dma source(%dma_start3A_13 : memref<128xi32, #tpu.memory_space<hbm>>) target(%dma_start3A_12 : memref<128xi32, #tpu.memory_space<vmem>>) target_semaphore(%arg11 : memref<!tpu.dma_semaphore, #tpu.memory_space<semaphore_mem>>)
    %dma_start3A_14 = arith.constant 0 : i32
    %dma_start3A_15 = tpu.memref_slice %arg2[%arg0, %mul3A_5, %dma_start3A_14] : memref<2x163840x128xf32, #tpu.memory_space<hbm>> -> memref<1x128x128xf32, #tpu.memory_space<hbm>>
    %dma_start3A_16 = tpu.memref_squeeze %dma_start3A_15 : memref<1x128x128xf32, #tpu.memory_space<hbm>> -> memref<128x128xf32, #tpu.memory_space<hbm>>
    %dma_start3A_17 = arith.constant 0 : i32
    %dma_start3A_18 = tpu.memref_slice %arg2[%arg0, %mul3A_5, %dma_start3A_17] : memref<2x163840x128xf32, #tpu.memory_space<hbm>> -> memref<1x128x128xf32, #tpu.memory_space<hbm>>
    %dma_start3A_19 = tpu.memref_squeeze %dma_start3A_18 : memref<1x128x128xf32, #tpu.memory_space<hbm>> -> memref<128x128xf32, #tpu.memory_space<hbm>>
    tpu.enqueue_dma source(%dma_start3A_19 : memref<128x128xf32, #tpu.memory_space<hbm>>) target(%arg8 : memref<128x128xf32, #tpu.memory_space<vmem>>) target_semaphore(%arg13 : memref<!tpu.dma_semaphore, #tpu.memory_space<semaphore_mem>>)
    %add3A_20 = arith.constant 1 : i32
    %add3A_21 = arith.addi %mul3A_0, %add3A_20 : i32
    %mul3A_22 = arith.constant 128 : i32
    %mul3A_23 = arith.muli %add3A_21, %mul3A_22 : i32
    %dma_start3A_24 = arith.constant 0 : i32
    %dma_start3A_25 = arith.constant 0 : i32
    %dma_start3A_26 = tpu.memref_slice %arg7[%dma_start3A_24, %dma_start3A_25] : memref<1x128xi32, #tpu.memory_space<vmem>> -> memref<1x128xi32, #tpu.memory_space<vmem>>
    %dma_start3A_27 = tpu.memref_squeeze %dma_start3A_26 : memref<1x128xi32, #tpu.memory_space<vmem>> -> memref<128xi32, #tpu.memory_space<vmem>>
    %dma_start3A_28 = tpu.memref_slice %arg3[%mul3A_23] : memref<163840xi32, #tpu.memory_space<hbm>> -> memref<128xi32, #tpu.memory_space<hbm>>
    %dma_start3A_29 = arith.constant 0 : i32
    %dma_start3A_30 = tpu.memref_slice %arg7[%dma_start3A_24, %dma_start3A_29] : memref<1x128xi32, #tpu.memory_space<vmem>> -> memref<1x128xi32, #tpu.memory_space<vmem>>
    %dma_start3A_31 = tpu.memref_squeeze %dma_start3A_30 : memref<1x128xi32, #tpu.memory_space<vmem>> -> memref<128xi32, #tpu.memory_space<vmem>>
    %dma_start3A_32 = tpu.memref_slice %arg3[%mul3A_23] : memref<163840xi32, #tpu.memory_space<hbm>> -> memref<128xi32, #tpu.memory_space<hbm>>
    tpu.enqueue_dma source(%dma_start3A_32 : memref<128xi32, #tpu.memory_space<hbm>>) target(%dma_start3A_31 : memref<128xi32, #tpu.memory_space<vmem>>) target_semaphore(%arg12 : memref<!tpu.dma_semaphore, #tpu.memory_space<semaphore_mem>>)
    %dma_start3A_33 = arith.constant 0 : i32
    %dma_start3A_34 = tpu.memref_slice %arg2[%arg0, %mul3A_23, %dma_start3A_33] : memref<2x163840x128xf32, #tpu.memory_space<hbm>> -> memref<1x128x128xf32, #tpu.memory_space<hbm>>
    %dma_start3A_35 = tpu.memref_squeeze %dma_start3A_34 : memref<1x128x128xf32, #tpu.memory_space<hbm>> -> memref<128x128xf32, #tpu.memory_space<hbm>>
    %dma_start3A_36 = arith.constant 0 : i32
    %dma_start3A_37 = tpu.memref_slice %arg2[%arg0, %mul3A_23, %dma_start3A_36] : memref<2x163840x128xf32, #tpu.memory_space<hbm>> -> memref<1x128x128xf32, #tpu.memory_space<hbm>>
    %dma_start3A_38 = tpu.memref_squeeze %dma_start3A_37 : memref<1x128x128xf32, #tpu.memory_space<hbm>> -> memref<128x128xf32, #tpu.memory_space<hbm>>
    tpu.enqueue_dma source(%dma_start3A_38 : memref<128x128xf32, #tpu.memory_space<hbm>>) target(%arg9 : memref<128x128xf32, #tpu.memory_space<vmem>>) target_semaphore(%arg14 : memref<!tpu.dma_semaphore, #tpu.memory_space<semaphore_mem>>)
    %scan3A = arith.constant 0 : i32
    %scan3A_39 = arith.constant 0 : i32
    %scan3A_40 = arith.constant 40 : i32
    %scan3A_41 = arith.addi %scan3A_39, %scan3A_40 : i32
    %scan3A_42 = arith.constant 1 : i32
    scf.for %scan3A_53 = %scan3A_39 to %scan3A_41 step %scan3A_42  : i32 {
      %mul3A_54 = arith.constant 2 : i32
      %mul3A_55 = arith.muli %mul3A_54, %scan3A_53 : i32
      %add3A_56 = arith.constant 0 : i32
      %add3A_57 = arith.addi %mul3A_55, %add3A_56 : i32
      %dma_wait3A_58 = arith.constant 0 : i32
      %dma_wait3A_59 = arith.constant 0 : i32
      %dma_wait3A_60 = tpu.memref_slice %arg6[%dma_wait3A_58, %dma_wait3A_59] : memref<1x128xi32, #tpu.memory_space<vmem>> -> memref<1x128xi32, #tpu.memory_space<vmem>>
      %dma_wait3A_61 = tpu.memref_squeeze %dma_wait3A_60 : memref<1x128xi32, #tpu.memory_space<vmem>> -> memref<128xi32, #tpu.memory_space<vmem>>
      %dma_wait3A_62 = arith.constant 0 : i32
      %dma_wait3A_63 = tpu.memref_slice %arg3[%dma_wait3A_62] : memref<163840xi32, #tpu.memory_space<hbm>> -> memref<128xi32, #tpu.memory_space<hbm>>
      %dma_wait3A_64 = arith.constant 0 : i32
      %dma_wait3A_65 = tpu.memref_slice %arg6[%dma_wait3A_58, %dma_wait3A_64] : memref<1x128xi32, #tpu.memory_space<vmem>> -> memref<1x128xi32, #tpu.memory_space<vmem>>
      %dma_wait3A_66 = tpu.memref_squeeze %dma_wait3A_65 : memref<1x128xi32, #tpu.memory_space<vmem>> -> memref<128xi32, #tpu.memory_space<vmem>>
      %dma_wait3A_67 = arith.constant 0 : i32
      %dma_wait3A_68 = tpu.memref_slice %arg3[%dma_wait3A_67] : memref<163840xi32, #tpu.memory_space<hbm>> -> memref<128xi32, #tpu.memory_space<hbm>>
      tpu.wait_dma2 semaphore(%arg11 : memref<!tpu.dma_semaphore, #tpu.memory_space<semaphore_mem>>) src(%dma_wait3A_68 : memref<128xi32, #tpu.memory_space<hbm>>) dst(%dma_wait3A_66 : memref<128xi32, #tpu.memory_space<vmem>>)
      %dma_wait3A_69 = arith.constant 0 : i32
      %dma_wait3A_70 = arith.constant 0 : i32
      %dma_wait3A_71 = arith.constant 0 : i32
      %dma_wait3A_72 = tpu.memref_slice %arg2[%dma_wait3A_69, %dma_wait3A_70, %dma_wait3A_71] : memref<2x163840x128xf32, #tpu.memory_space<hbm>> -> memref<1x128x128xf32, #tpu.memory_space<hbm>>
      %dma_wait3A_73 = tpu.memref_squeeze %dma_wait3A_72 : memref<1x128x128xf32, #tpu.memory_space<hbm>> -> memref<128x128xf32, #tpu.memory_space<hbm>>
      %dma_wait3A_74 = arith.constant 0 : i32
      %dma_wait3A_75 = arith.constant 0 : i32
      %dma_wait3A_76 = tpu.memref_slice %arg2[%dma_wait3A_69, %dma_wait3A_74, %dma_wait3A_75] : memref<2x163840x128xf32, #tpu.memory_space<hbm>> -> memref<1x128x128xf32, #tpu.memory_space<hbm>>
      %dma_wait3A_77 = tpu.memref_squeeze %dma_wait3A_76 : memref<1x128x128xf32, #tpu.memory_space<hbm>> -> memref<128x128xf32, #tpu.memory_space<hbm>>
      tpu.wait_dma2 semaphore(%arg13 : memref<!tpu.dma_semaphore, #tpu.memory_space<semaphore_mem>>) src(%dma_wait3A_77 : memref<128x128xf32, #tpu.memory_space<hbm>>) dst(%arg8 : memref<128x128xf32, #tpu.memory_space<vmem>>)
      %dma_start3A_78 = arith.constant 0 : i32
      %dma_start3A_79 = arith.constant 0 : i32
      %dma_start3A_80 = tpu.memref_slice %arg6[%dma_start3A_78, %dma_start3A_79] : memref<1x128xi32, #tpu.memory_space<vmem>> -> memref<1x128xi32, #tpu.memory_space<vmem>>
      %dma_start3A_81 = tpu.memref_squeeze %dma_start3A_80 : memref<1x128xi32, #tpu.memory_space<vmem>> -> memref<128xi32, #tpu.memory_space<vmem>>
      %dma_start3A_82 = arith.constant 0 : i32
      %dma_start3A_83 = arith.constant 0 : i32
      %dma_start3A_84 = tpu.memref_slice %arg10[%dma_start3A_82, %dma_start3A_83] : memref<10112x128xf32, #tpu.memory_space<vmem_shared>> -> memref<10112x128xf32, #tpu.memory_space<vmem_shared>>
      tpu.enqueue_indirect_dma source(%arg8 : memref<128x128xf32, #tpu.memory_space<vmem>>) target(%dma_start3A_84 : memref<10112x128xf32, #tpu.memory_space<vmem_shared>>) offsets(%dma_start3A_81 : memref<128xi32, #tpu.memory_space<vmem>>) semaphore(%arg15 : memref<!tpu.dma_semaphore, #tpu.memory_space<semaphore_mem>>) {add = true}
      %ge3A = arith.constant 1 : i32
      %ge3A_85 = arith.cmpi sge, %scan3A_53, %ge3A : i32
      %convert_element_type3A = arith.extui %ge3A_85 : i1 to i32
      %cond3A = arith.constant 0 : i32
      %cond3A_86 = arith.cmpi ne, %convert_element_type3A, %cond3A : i32
      scf.if %cond3A_86 {
        %dma_wait3A_129 = arith.constant 0 : i32
        %dma_wait3A_130 = arith.constant 0 : i32
        %dma_wait3A_131 = tpu.memref_slice %arg7[%dma_wait3A_129, %dma_wait3A_130] : memref<1x128xi32, #tpu.memory_space<vmem>> -> memref<1x128xi32, #tpu.memory_space<vmem>>
        %dma_wait3A_132 = tpu.memref_squeeze %dma_wait3A_131 : memref<1x128xi32, #tpu.memory_space<vmem>> -> memref<128xi32, #tpu.memory_space<vmem>>
        %dma_wait3A_133 = arith.constant 0 : i32
        %dma_wait3A_134 = arith.constant 0 : i32
        %dma_wait3A_135 = tpu.memref_slice %arg10[%dma_wait3A_133, %dma_wait3A_134] : memref<10112x128xf32, #tpu.memory_space<vmem_shared>> -> memref<10112x128xf32, #tpu.memory_space<vmem_shared>>
        tpu.wait_indirect_dma semaphore(%arg16 : memref<!tpu.dma_semaphore, #tpu.memory_space<semaphore_mem>>) src(%arg9 : memref<128x128xf32, #tpu.memory_space<vmem>>) dst(%dma_wait3A_135 : memref<10112x128xf32, #tpu.memory_space<vmem_shared>>)
        %add3A_136 = arith.constant 1 : i32
        %add3A_137 = arith.addi %add3A_57, %add3A_136 : i32
        %add3A_138 = arith.addi %mul3A_0, %add3A_137 : i32
        %mul3A_139 = arith.constant 128 : i32
        %mul3A_140 = arith.muli %add3A_138, %mul3A_139 : i32
        %dma_start3A_141 = arith.constant 0 : i32
        %dma_start3A_142 = arith.constant 0 : i32
        %dma_start3A_143 = tpu.memref_slice %arg7[%dma_start3A_141, %dma_start3A_142] : memref<1x128xi32, #tpu.memory_space<vmem>> -> memref<1x128xi32, #tpu.memory_space<vmem>>
        %dma_start3A_144 = tpu.memref_squeeze %dma_start3A_143 : memref<1x128xi32, #tpu.memory_space<vmem>> -> memref<128xi32, #tpu.memory_space<vmem>>
        %dma_start3A_145 = tpu.memref_slice %arg3[%mul3A_140] : memref<163840xi32, #tpu.memory_space<hbm>> -> memref<128xi32, #tpu.memory_space<hbm>>
        %dma_start3A_146 = arith.constant 0 : i32
        %dma_start3A_147 = tpu.memref_slice %arg7[%dma_start3A_141, %dma_start3A_146] : memref<1x128xi32, #tpu.memory_space<vmem>> -> memref<1x128xi32, #tpu.memory_space<vmem>>
        %dma_start3A_148 = tpu.memref_squeeze %dma_start3A_147 : memref<1x128xi32, #tpu.memory_space<vmem>> -> memref<128xi32, #tpu.memory_space<vmem>>
        %dma_start3A_149 = tpu.memref_slice %arg3[%mul3A_140] : memref<163840xi32, #tpu.memory_space<hbm>> -> memref<128xi32, #tpu.memory_space<hbm>>
        tpu.enqueue_dma source(%dma_start3A_149 : memref<128xi32, #tpu.memory_space<hbm>>) target(%dma_start3A_148 : memref<128xi32, #tpu.memory_space<vmem>>) target_semaphore(%arg12 : memref<!tpu.dma_semaphore, #tpu.memory_space<semaphore_mem>>)
        %dma_start3A_150 = arith.constant 0 : i32
        %dma_start3A_151 = tpu.memref_slice %arg2[%arg0, %mul3A_140, %dma_start3A_150] : memref<2x163840x128xf32, #tpu.memory_space<hbm>> -> memref<1x128x128xf32, #tpu.memory_space<hbm>>
        %dma_start3A_152 = tpu.memref_squeeze %dma_start3A_151 : memref<1x128x128xf32, #tpu.memory_space<hbm>> -> memref<128x128xf32, #tpu.memory_space<hbm>>
        %dma_start3A_153 = arith.constant 0 : i32
        %dma_start3A_154 = tpu.memref_slice %arg2[%arg0, %mul3A_140, %dma_start3A_153] : memref<2x163840x128xf32, #tpu.memory_space<hbm>> -> memref<1x128x128xf32, #tpu.memory_space<hbm>>
        %dma_start3A_155 = tpu.memref_squeeze %dma_start3A_154 : memref<1x128x128xf32, #tpu.memory_space<hbm>> -> memref<128x128xf32, #tpu.memory_space<hbm>>
        tpu.enqueue_dma source(%dma_start3A_155 : memref<128x128xf32, #tpu.memory_space<hbm>>) target(%arg9 : memref<128x128xf32, #tpu.memory_space<vmem>>) target_semaphore(%arg14 : memref<!tpu.dma_semaphore, #tpu.memory_space<semaphore_mem>>)
      } else {
      }
      %mul3A_87 = arith.constant 2 : i32
      %mul3A_88 = arith.muli %mul3A_87, %scan3A_53 : i32
      %add3A_89 = arith.constant 1 : i32
      %add3A_90 = arith.addi %mul3A_88, %add3A_89 : i32
      %dma_wait3A_91 = arith.constant 0 : i32
      %dma_wait3A_92 = arith.constant 0 : i32
      %dma_wait3A_93 = tpu.memref_slice %arg7[%dma_wait3A_91, %dma_wait3A_92] : memref<1x128xi32, #tpu.memory_space<vmem>> -> memref<1x128xi32, #tpu.memory_space<vmem>>
      %dma_wait3A_94 = tpu.memref_squeeze %dma_wait3A_93 : memref<1x128xi32, #tpu.memory_space<vmem>> -> memref<128xi32, #tpu.memory_space<vmem>>
      %dma_wait3A_95 = arith.constant 0 : i32
      %dma_wait3A_96 = tpu.memref_slice %arg3[%dma_wait3A_95] : memref<163840xi32, #tpu.memory_space<hbm>> -> memref<128xi32, #tpu.memory_space<hbm>>
      %dma_wait3A_97 = arith.constant 0 : i32
      %dma_wait3A_98 = tpu.memref_slice %arg7[%dma_wait3A_91, %dma_wait3A_97] : memref<1x128xi32, #tpu.memory_space<vmem>> -> memref<1x128xi32, #tpu.memory_space<vmem>>
      %dma_wait3A_99 = tpu.memref_squeeze %dma_wait3A_98 : memref<1x128xi32, #tpu.memory_space<vmem>> -> memref<128xi32, #tpu.memory_space<vmem>>
      %dma_wait3A_100 = arith.constant 0 : i32
      %dma_wait3A_101 = tpu.memref_slice %arg3[%dma_wait3A_100] : memref<163840xi32, #tpu.memory_space<hbm>> -> memref<128xi32, #tpu.memory_space<hbm>>
      tpu.wait_dma2 semaphore(%arg12 : memref<!tpu.dma_semaphore, #tpu.memory_space<semaphore_mem>>) src(%dma_wait3A_101 : memref<128xi32, #tpu.memory_space<hbm>>) dst(%dma_wait3A_99 : memref<128xi32, #tpu.memory_space<vmem>>)
      %dma_wait3A_102 = arith.constant 0 : i32
      %dma_wait3A_103 = arith.constant 0 : i32
      %dma_wait3A_104 = arith.constant 0 : i32
      %dma_wait3A_105 = tpu.memref_slice %arg2[%dma_wait3A_102, %dma_wait3A_103, %dma_wait3A_104] : memref<2x163840x128xf32, #tpu.memory_space<hbm>> -> memref<1x128x128xf32, #tpu.memory_space<hbm>>
      %dma_wait3A_106 = tpu.memref_squeeze %dma_wait3A_105 : memref<1x128x128xf32, #tpu.memory_space<hbm>> -> memref<128x128xf32, #tpu.memory_space<hbm>>
      %dma_wait3A_107 = arith.constant 0 : i32
      %dma_wait3A_108 = arith.constant 0 : i32
      %dma_wait3A_109 = tpu.memref_slice %arg2[%dma_wait3A_102, %dma_wait3A_107, %dma_wait3A_108] : memref<2x163840x128xf32, #tpu.memory_space<hbm>> -> memref<1x128x128xf32, #tpu.memory_space<hbm>>
      %dma_wait3A_110 = tpu.memref_squeeze %dma_wait3A_109 : memref<1x128x128xf32, #tpu.memory_space<hbm>> -> memref<128x128xf32, #tpu.memory_space<hbm>>
      tpu.wait_dma2 semaphore(%arg14 : memref<!tpu.dma_semaphore, #tpu.memory_space<semaphore_mem>>) src(%dma_wait3A_110 : memref<128x128xf32, #tpu.memory_space<hbm>>) dst(%arg9 : memref<128x128xf32, #tpu.memory_space<vmem>>)
      %dma_start3A_111 = arith.constant 0 : i32
      %dma_start3A_112 = arith.constant 0 : i32
      %dma_start3A_113 = tpu.memref_slice %arg7[%dma_start3A_111, %dma_start3A_112] : memref<1x128xi32, #tpu.memory_space<vmem>> -> memref<1x128xi32, #tpu.memory_space<vmem>>
      %dma_start3A_114 = tpu.memref_squeeze %dma_start3A_113 : memref<1x128xi32, #tpu.memory_space<vmem>> -> memref<128xi32, #tpu.memory_space<vmem>>
      %dma_start3A_115 = arith.constant 0 : i32
      %dma_start3A_116 = arith.constant 0 : i32
      %dma_start3A_117 = tpu.memref_slice %arg10[%dma_start3A_115, %dma_start3A_116] : memref<10112x128xf32, #tpu.memory_space<vmem_shared>> -> memref<10112x128xf32, #tpu.memory_space<vmem_shared>>
      tpu.enqueue_indirect_dma source(%arg9 : memref<128x128xf32, #tpu.memory_space<vmem>>) target(%dma_start3A_117 : memref<10112x128xf32, #tpu.memory_space<vmem_shared>>) offsets(%dma_start3A_114 : memref<128xi32, #tpu.memory_space<vmem>>) semaphore(%arg16 : memref<!tpu.dma_semaphore, #tpu.memory_space<semaphore_mem>>) {add = true}
      %dma_wait3A_118 = arith.constant 0 : i32
      %dma_wait3A_119 = arith.constant 0 : i32
      %dma_wait3A_120 = tpu.memref_slice %arg6[%dma_wait3A_118, %dma_wait3A_119] : memref<1x128xi32, #tpu.memory_space<vmem>> -> memref<1x128xi32, #tpu.memory_space<vmem>>
      %dma_wait3A_121 = tpu.memref_squeeze %dma_wait3A_120 : memref<1x128xi32, #tpu.memory_space<vmem>> -> memref<128xi32, #tpu.memory_space<vmem>>
      %dma_wait3A_122 = arith.constant 0 : i32
      %dma_wait3A_123 = arith.constant 0 : i32
      %dma_wait3A_124 = tpu.memref_slice %arg10[%dma_wait3A_122, %dma_wait3A_123] : memref<10112x128xf32, #tpu.memory_space<vmem_shared>> -> memref<10112x128xf32, #tpu.memory_space<vmem_shared>>
      tpu.wait_indirect_dma semaphore(%arg15 : memref<!tpu.dma_semaphore, #tpu.memory_space<semaphore_mem>>) src(%arg8 : memref<128x128xf32, #tpu.memory_space<vmem>>) dst(%dma_wait3A_124 : memref<10112x128xf32, #tpu.memory_space<vmem_shared>>)
      %lt3A = arith.constant 39 : i32
      %lt3A_125 = arith.cmpi slt, %scan3A_53, %lt3A : i32
      %convert_element_type3A_126 = arith.extui %lt3A_125 : i1 to i32
      %cond3A_127 = arith.constant 0 : i32
      %cond3A_128 = arith.cmpi ne, %convert_element_type3A_126, %cond3A_127 : i32
      scf.if %cond3A_128 {
        %add3A_129 = arith.constant 1 : i32
        %add3A_130 = arith.addi %add3A_90, %add3A_129 : i32
        %add3A_131 = arith.addi %mul3A_0, %add3A_130 : i32
        %mul3A_132 = arith.constant 128 : i32
        %mul3A_133 = arith.muli %add3A_131, %mul3A_132 : i32
        %dma_start3A_134 = arith.constant 0 : i32
        %dma_start3A_135 = arith.constant 0 : i32
        %dma_start3A_136 = tpu.memref_slice %arg6[%dma_start3A_134, %dma_start3A_135] : memref<1x128xi32, #tpu.memory_space<vmem>> -> memref<1x128xi32, #tpu.memory_space<vmem>>
        %dma_start3A_137 = tpu.memref_squeeze %dma_start3A_136 : memref<1x128xi32, #tpu.memory_space<vmem>> -> memref<128xi32, #tpu.memory_space<vmem>>
        %dma_start3A_138 = tpu.memref_slice %arg3[%mul3A_133] : memref<163840xi32, #tpu.memory_space<hbm>> -> memref<128xi32, #tpu.memory_space<hbm>>
        %dma_start3A_139 = arith.constant 0 : i32
        %dma_start3A_140 = tpu.memref_slice %arg6[%dma_start3A_134, %dma_start3A_139] : memref<1x128xi32, #tpu.memory_space<vmem>> -> memref<1x128xi32, #tpu.memory_space<vmem>>
        %dma_start3A_141 = tpu.memref_squeeze %dma_start3A_140 : memref<1x128xi32, #tpu.memory_space<vmem>> -> memref<128xi32, #tpu.memory_space<vmem>>
        %dma_start3A_142 = tpu.memref_slice %arg3[%mul3A_133] : memref<163840xi32, #tpu.memory_space<hbm>> -> memref<128xi32, #tpu.memory_space<hbm>>
        tpu.enqueue_dma source(%dma_start3A_142 : memref<128xi32, #tpu.memory_space<hbm>>) target(%dma_start3A_141 : memref<128xi32, #tpu.memory_space<vmem>>) target_semaphore(%arg11 : memref<!tpu.dma_semaphore, #tpu.memory_space<semaphore_mem>>)
        %dma_start3A_143 = arith.constant 0 : i32
        %dma_start3A_144 = tpu.memref_slice %arg2[%arg0, %mul3A_133, %dma_start3A_143] : memref<2x163840x128xf32, #tpu.memory_space<hbm>> -> memref<1x128x128xf32, #tpu.memory_space<hbm>>
        %dma_start3A_145 = tpu.memref_squeeze %dma_start3A_144 : memref<1x128x128xf32, #tpu.memory_space<hbm>> -> memref<128x128xf32, #tpu.memory_space<hbm>>
        %dma_start3A_146 = arith.constant 0 : i32
        %dma_start3A_147 = tpu.memref_slice %arg2[%arg0, %mul3A_133, %dma_start3A_146] : memref<2x163840x128xf32, #tpu.memory_space<hbm>> -> memref<1x128x128xf32, #tpu.memory_space<hbm>>
        %dma_start3A_148 = tpu.memref_squeeze %dma_start3A_147 : memref<1x128x128xf32, #tpu.memory_space<hbm>> -> memref<128x128xf32, #tpu.memory_space<hbm>>
        tpu.enqueue_dma source(%dma_start3A_148 : memref<128x128xf32, #tpu.memory_space<hbm>>) target(%arg8 : memref<128x128xf32, #tpu.memory_space<vmem>>) target_semaphore(%arg13 : memref<!tpu.dma_semaphore, #tpu.memory_space<semaphore_mem>>)
      } else {
      }
    }
    %scan3A_43 = arith.constant 40 : i32
    %dma_wait3A = arith.constant 0 : i32
    %dma_wait3A_44 = arith.constant 0 : i32
    %dma_wait3A_45 = tpu.memref_slice %arg7[%dma_wait3A, %dma_wait3A_44] : memref<1x128xi32, #tpu.memory_space<vmem>> -> memref<1x128xi32, #tpu.memory_space<vmem>>
    %dma_wait3A_46 = tpu.memref_squeeze %dma_wait3A_45 : memref<1x128xi32, #tpu.memory_space<vmem>> -> memref<128xi32, #tpu.memory_space<vmem>>
    %dma_wait3A_47 = arith.constant 0 : i32
    %dma_wait3A_48 = arith.constant 0 : i32
    %dma_wait3A_49 = tpu.memref_slice %arg10[%dma_wait3A_47, %dma_wait3A_48] : memref<10112x128xf32, #tpu.memory_space<vmem_shared>> -> memref<10112x128xf32, #tpu.memory_space<vmem_shared>>
    tpu.wait_indirect_dma semaphore(%arg16 : memref<!tpu.dma_semaphore, #tpu.memory_space<semaphore_mem>>) src(%arg9 : memref<128x128xf32, #tpu.memory_space<vmem>>) dst(%dma_wait3A_49 : memref<10112x128xf32, #tpu.memory_space<vmem_shared>>)
    %barrier3A_50 = arith.constant 0 : index
    tpu.barrier barrier_id(%barrier3A_50)
    %mul3A_51 = arith.constant 632 : i32
    %mul3A_52 = arith.muli %arg1, %mul3A_51 : i32
    "tpu.region"() ({
      %run_scoped3A = tpu.sem_alloc : memref<!tpu.dma_semaphore, #tpu.memory_space<semaphore_mem>>
      %dma_start3A_53 = arith.constant 0 : i32
      %dma_start3A_54 = tpu.memref_slice %arg5[%arg0, %mul3A_52, %dma_start3A_53] : memref<2x10112x128xf32, #tpu.memory_space<hbm>> -> memref<1x632x128xf32, #tpu.memory_space<hbm>>
      %dma_start3A_55 = tpu.memref_squeeze %dma_start3A_54 : memref<1x632x128xf32, #tpu.memory_space<hbm>> -> memref<632x128xf32, #tpu.memory_space<hbm>>
      %dma_start3A_56 = arith.constant 0 : i32
      %dma_start3A_57 = tpu.memref_slice %arg10[%mul3A_52, %dma_start3A_56] : memref<10112x128xf32, #tpu.memory_space<vmem_shared>> -> memref<632x128xf32, #tpu.memory_space<vmem_shared>>
      tpu.enqueue_dma source(%dma_start3A_57 : memref<632x128xf32, #tpu.memory_space<vmem_shared>>) target(%dma_start3A_55 : memref<632x128xf32, #tpu.memory_space<hbm>>) target_semaphore(%run_scoped3A : memref<!tpu.dma_semaphore, #tpu.memory_space<semaphore_mem>>)
      %dma_wait3A_58 = arith.constant 0 : i32
      %dma_wait3A_59 = tpu.memref_slice %arg5[%arg0, %mul3A_52, %dma_wait3A_58] : memref<2x10112x128xf32, #tpu.memory_space<hbm>> -> memref<1x632x128xf32, #tpu.memory_space<hbm>>
      %dma_wait3A_60 = tpu.memref_squeeze %dma_wait3A_59 : memref<1x632x128xf32, #tpu.memory_space<hbm>> -> memref<632x128xf32, #tpu.memory_space<hbm>>
      %dma_wait3A_61 = arith.constant 0 : i32
      %dma_wait3A_62 = tpu.memref_slice %arg10[%mul3A_52, %dma_wait3A_61] : memref<10112x128xf32, #tpu.memory_space<vmem_shared>> -> memref<632x128xf32, #tpu.memory_space<vmem_shared>>
      tpu.wait_dma2 semaphore(%run_scoped3A : memref<!tpu.dma_semaphore, #tpu.memory_space<semaphore_mem>>) src(%dma_wait3A_62 : memref<632x128xf32, #tpu.memory_space<vmem_shared>>) dst(%dma_wait3A_60 : memref<632x128xf32, #tpu.memory_space<hbm>>)
      tpu.yield
    }) : () -> ()
    return
  }
}

#map = affine_map<(d0, d1) -> (0, 0)>
#map1 = affine_map<(d0, d1) -> (0)>
#map2 = affine_map<(d0, d1) -> (0, 0, 0)>
module attributes {stable_mosaic.version = 14 : i64} {
  func.func @_sc_aggs_body(%arg0: i32, %arg1: i32, %arg2: memref<20224x128xf32, #tpu.memory_space<hbm>>, %arg3: memref<327680xi32, #tpu.memory_space<hbm>>, %arg4: memref<163840xi32, #tpu.memory_space<hbm>>, %arg5: memref<632x128xf32, #tpu.memory_space<hbm>>, %arg6: memref<2x10112x128xf32, #tpu.memory_space<hbm>>, %arg7: memref<128xi32, #tpu.memory_space<vmem>>, %arg8: memref<128xi32, #tpu.memory_space<vmem>>, %arg9: memref<1x128xi32, #tpu.memory_space<vmem>>, %arg10: memref<1x128xi32, #tpu.memory_space<vmem>>, %arg11: memref<128x128xf32, #tpu.memory_space<vmem>>, %arg12: memref<128x128xf32, #tpu.memory_space<vmem>>, %arg13: memref<10112x128xf32, #tpu.memory_space<vmem_shared>>, %arg14: memref<!tpu.dma_semaphore, #tpu.memory_space<semaphore_mem>>, %arg15: memref<!tpu.dma_semaphore, #tpu.memory_space<semaphore_mem>>, %arg16: memref<!tpu.dma_semaphore, #tpu.memory_space<semaphore_mem>>, %arg17: memref<!tpu.dma_semaphore, #tpu.memory_space<semaphore_mem>>, %arg18: memref<!tpu.dma_semaphore, #tpu.memory_space<semaphore_mem>>, %arg19: memref<!tpu.dma_semaphore, #tpu.memory_space<semaphore_mem>>) attributes {dimension_semantics = [#tpu.dimension_semantics<core_parallel>, #tpu.dimension_semantics<subcore_parallel>], iteration_bounds = array<i64: 2, 16>, scalar_prefetch = 0 : i64, scratch_operands = 13 : i64, tpu.core_type = #tpu.core_type<sc_vector_subcore>, window_params = [{transform_indices = #map}, {transform_indices = #map1}, {transform_indices = #map1}, {transform_indices = #map}, {transform_indices = #map2}]} {
    %mul3A = arith.constant 80 : i32
    %mul3A_0 = arith.muli %mul3A, %arg1 : i32
    %mul3A_1 = arith.constant 632 : i32
    %mul3A_2 = arith.muli %arg1, %mul3A_1 : i32
    "tpu.region"() ({
      %run_scoped3A = tpu.sem_alloc : memref<!tpu.dma_semaphore, #tpu.memory_space<semaphore_mem>>
      %dma_start3A_68 = arith.constant 0 : i32
      %dma_start3A_69 = tpu.memref_slice %arg13[%mul3A_2, %dma_start3A_68] : memref<10112x128xf32, #tpu.memory_space<vmem_shared>> -> memref<632x128xf32, #tpu.memory_space<vmem_shared>>
      tpu.enqueue_dma source(%arg5 : memref<632x128xf32, #tpu.memory_space<hbm>>) target(%dma_start3A_69 : memref<632x128xf32, #tpu.memory_space<vmem_shared>>) target_semaphore(%run_scoped3A : memref<!tpu.dma_semaphore, #tpu.memory_space<semaphore_mem>>)
      %dma_wait3A_70 = arith.constant 0 : i32
      %dma_wait3A_71 = tpu.memref_slice %arg13[%mul3A_2, %dma_wait3A_70] : memref<10112x128xf32, #tpu.memory_space<vmem_shared>> -> memref<632x128xf32, #tpu.memory_space<vmem_shared>>
      tpu.wait_dma2 semaphore(%run_scoped3A : memref<!tpu.dma_semaphore, #tpu.memory_space<semaphore_mem>>) src(%arg5 : memref<632x128xf32, #tpu.memory_space<hbm>>) dst(%dma_wait3A_71 : memref<632x128xf32, #tpu.memory_space<vmem_shared>>)
      tpu.yield
    }) : () -> ()
    %barrier3A = arith.constant 0 : index
    tpu.barrier barrier_id(%barrier3A)
    %add3A = arith.constant 0 : i32
    %add3A_3 = arith.addi %mul3A_0, %add3A : i32
    %mul3A_4 = arith.constant 128 : i32
    %mul3A_5 = arith.muli %add3A_3, %mul3A_4 : i32
    %mul3A_6 = arith.constant 163840 : i32
    %mul3A_7 = arith.muli %arg0, %mul3A_6 : i32
    %add3A_8 = arith.addi %mul3A_7, %mul3A_5 : i32
    %dma_start3A = tpu.memref_slice %arg3[%add3A_8] : memref<327680xi32, #tpu.memory_space<hbm>> -> memref<128xi32, #tpu.memory_space<hbm>>
    %dma_start3A_9 = tpu.memref_slice %arg3[%add3A_8] : memref<327680xi32, #tpu.memory_space<hbm>> -> memref<128xi32, #tpu.memory_space<hbm>>
    tpu.enqueue_dma source(%dma_start3A_9 : memref<128xi32, #tpu.memory_space<hbm>>) target(%arg7 : memref<128xi32, #tpu.memory_space<vmem>>) target_semaphore(%arg14 : memref<!tpu.dma_semaphore, #tpu.memory_space<semaphore_mem>>)
    %dma_start3A_10 = arith.constant 0 : i32
    %dma_start3A_11 = arith.constant 0 : i32
    %dma_start3A_12 = tpu.memref_slice %arg9[%dma_start3A_10, %dma_start3A_11] : memref<1x128xi32, #tpu.memory_space<vmem>> -> memref<1x128xi32, #tpu.memory_space<vmem>>
    %dma_start3A_13 = tpu.memref_squeeze %dma_start3A_12 : memref<1x128xi32, #tpu.memory_space<vmem>> -> memref<128xi32, #tpu.memory_space<vmem>>
    %dma_start3A_14 = tpu.memref_slice %arg4[%mul3A_5] : memref<163840xi32, #tpu.memory_space<hbm>> -> memref<128xi32, #tpu.memory_space<hbm>>
    %dma_start3A_15 = arith.constant 0 : i32
    %dma_start3A_16 = tpu.memref_slice %arg9[%dma_start3A_10, %dma_start3A_15] : memref<1x128xi32, #tpu.memory_space<vmem>> -> memref<1x128xi32, #tpu.memory_space<vmem>>
    %dma_start3A_17 = tpu.memref_squeeze %dma_start3A_16 : memref<1x128xi32, #tpu.memory_space<vmem>> -> memref<128xi32, #tpu.memory_space<vmem>>
    %dma_start3A_18 = tpu.memref_slice %arg4[%mul3A_5] : memref<163840xi32, #tpu.memory_space<hbm>> -> memref<128xi32, #tpu.memory_space<hbm>>
    tpu.enqueue_dma source(%dma_start3A_18 : memref<128xi32, #tpu.memory_space<hbm>>) target(%dma_start3A_17 : memref<128xi32, #tpu.memory_space<vmem>>) target_semaphore(%arg14 : memref<!tpu.dma_semaphore, #tpu.memory_space<semaphore_mem>>)
    %add3A_19 = arith.constant 1 : i32
    %add3A_20 = arith.addi %mul3A_0, %add3A_19 : i32
    %mul3A_21 = arith.constant 128 : i32
    %mul3A_22 = arith.muli %add3A_20, %mul3A_21 : i32
    %mul3A_23 = arith.constant 163840 : i32
    %mul3A_24 = arith.muli %arg0, %mul3A_23 : i32
    %add3A_25 = arith.addi %mul3A_24, %mul3A_22 : i32
    %dma_start3A_26 = tpu.memref_slice %arg3[%add3A_25] : memref<327680xi32, #tpu.memory_space<hbm>> -> memref<128xi32, #tpu.memory_space<hbm>>
    %dma_start3A_27 = tpu.memref_slice %arg3[%add3A_25] : memref<327680xi32, #tpu.memory_space<hbm>> -> memref<128xi32, #tpu.memory_space<hbm>>
    tpu.enqueue_dma source(%dma_start3A_27 : memref<128xi32, #tpu.memory_space<hbm>>) target(%arg8 : memref<128xi32, #tpu.memory_space<vmem>>) target_semaphore(%arg15 : memref<!tpu.dma_semaphore, #tpu.memory_space<semaphore_mem>>)
    %dma_start3A_28 = arith.constant 0 : i32
    %dma_start3A_29 = arith.constant 0 : i32
    %dma_start3A_30 = tpu.memref_slice %arg10[%dma_start3A_28, %dma_start3A_29] : memref<1x128xi32, #tpu.memory_space<vmem>> -> memref<1x128xi32, #tpu.memory_space<vmem>>
    %dma_start3A_31 = tpu.memref_squeeze %dma_start3A_30 : memref<1x128xi32, #tpu.memory_space<vmem>> -> memref<128xi32, #tpu.memory_space<vmem>>
    %dma_start3A_32 = tpu.memref_slice %arg4[%mul3A_22] : memref<163840xi32, #tpu.memory_space<hbm>> -> memref<128xi32, #tpu.memory_space<hbm>>
    %dma_start3A_33 = arith.constant 0 : i32
    %dma_start3A_34 = tpu.memref_slice %arg10[%dma_start3A_28, %dma_start3A_33] : memref<1x128xi32, #tpu.memory_space<vmem>> -> memref<1x128xi32, #tpu.memory_space<vmem>>
    %dma_start3A_35 = tpu.memref_squeeze %dma_start3A_34 : memref<1x128xi32, #tpu.memory_space<vmem>> -> memref<128xi32, #tpu.memory_space<vmem>>
    %dma_start3A_36 = tpu.memref_slice %arg4[%mul3A_22] : memref<163840xi32, #tpu.memory_space<hbm>> -> memref<128xi32, #tpu.memory_space<hbm>>
    tpu.enqueue_dma source(%dma_start3A_36 : memref<128xi32, #tpu.memory_space<hbm>>) target(%dma_start3A_35 : memref<128xi32, #tpu.memory_space<vmem>>) target_semaphore(%arg15 : memref<!tpu.dma_semaphore, #tpu.memory_space<semaphore_mem>>)
    %scan3A = arith.constant 0 : i32
    %scan3A_37 = arith.constant 0 : i32
    %scan3A_38 = arith.constant 40 : i32
    %scan3A_39 = arith.addi %scan3A_37, %scan3A_38 : i32
    %scan3A_40 = arith.constant 1 : i32
    scf.for %scan3A_68 = %scan3A_37 to %scan3A_39 step %scan3A_40  : i32 {
      %mul3A_69 = arith.constant 2 : i32
      %mul3A_70 = arith.muli %mul3A_69, %scan3A_68 : i32
      %add3A_71 = arith.constant 0 : i32
      %add3A_72 = arith.addi %mul3A_70, %add3A_71 : i32
      %dma_wait3A_73 = arith.constant 0 : i32
      %dma_wait3A_74 = tpu.memref_slice %arg3[%dma_wait3A_73] : memref<327680xi32, #tpu.memory_space<hbm>> -> memref<128xi32, #tpu.memory_space<hbm>>
      %dma_wait3A_75 = arith.constant 0 : i32
      %dma_wait3A_76 = tpu.memref_slice %arg3[%dma_wait3A_75] : memref<327680xi32, #tpu.memory_space<hbm>> -> memref<128xi32, #tpu.memory_space<hbm>>
      tpu.wait_dma2 semaphore(%arg14 : memref<!tpu.dma_semaphore, #tpu.memory_space<semaphore_mem>>) src(%dma_wait3A_76 : memref<128xi32, #tpu.memory_space<hbm>>) dst(%arg7 : memref<128xi32, #tpu.memory_space<vmem>>)
      %dma_wait3A_77 = arith.constant 0 : i32
      %dma_wait3A_78 = arith.constant 0 : i32
      %dma_wait3A_79 = tpu.memref_slice %arg9[%dma_wait3A_77, %dma_wait3A_78] : memref<1x128xi32, #tpu.memory_space<vmem>> -> memref<1x128xi32, #tpu.memory_space<vmem>>
      %dma_wait3A_80 = tpu.memref_squeeze %dma_wait3A_79 : memref<1x128xi32, #tpu.memory_space<vmem>> -> memref<128xi32, #tpu.memory_space<vmem>>
      %dma_wait3A_81 = arith.constant 0 : i32
      %dma_wait3A_82 = tpu.memref_slice %arg4[%dma_wait3A_81] : memref<163840xi32, #tpu.memory_space<hbm>> -> memref<128xi32, #tpu.memory_space<hbm>>
      %dma_wait3A_83 = arith.constant 0 : i32
      %dma_wait3A_84 = tpu.memref_slice %arg9[%dma_wait3A_77, %dma_wait3A_83] : memref<1x128xi32, #tpu.memory_space<vmem>> -> memref<1x128xi32, #tpu.memory_space<vmem>>
      %dma_wait3A_85 = tpu.memref_squeeze %dma_wait3A_84 : memref<1x128xi32, #tpu.memory_space<vmem>> -> memref<128xi32, #tpu.memory_space<vmem>>
      %dma_wait3A_86 = arith.constant 0 : i32
      %dma_wait3A_87 = tpu.memref_slice %arg4[%dma_wait3A_86] : memref<163840xi32, #tpu.memory_space<hbm>> -> memref<128xi32, #tpu.memory_space<hbm>>
      tpu.wait_dma2 semaphore(%arg14 : memref<!tpu.dma_semaphore, #tpu.memory_space<semaphore_mem>>) src(%dma_wait3A_87 : memref<128xi32, #tpu.memory_space<hbm>>) dst(%dma_wait3A_85 : memref<128xi32, #tpu.memory_space<vmem>>)
      %ge3A = arith.constant 1 : i32
      %ge3A_88 = arith.cmpi sge, %scan3A_68, %ge3A : i32
      %convert_element_type3A = arith.extui %ge3A_88 : i1 to i32
      %cond3A = arith.constant 0 : i32
      %cond3A_89 = arith.cmpi ne, %convert_element_type3A, %cond3A : i32
      scf.if %cond3A_89 {
        %dma_wait3A_139 = arith.constant 0 : i32
        %dma_wait3A_140 = arith.constant 0 : i32
        %dma_wait3A_141 = tpu.memref_slice %arg9[%dma_wait3A_139, %dma_wait3A_140] : memref<1x128xi32, #tpu.memory_space<vmem>> -> memref<1x128xi32, #tpu.memory_space<vmem>>
        %dma_wait3A_142 = tpu.memref_squeeze %dma_wait3A_141 : memref<1x128xi32, #tpu.memory_space<vmem>> -> memref<128xi32, #tpu.memory_space<vmem>>
        %dma_wait3A_143 = arith.constant 0 : i32
        %dma_wait3A_144 = arith.constant 0 : i32
        %dma_wait3A_145 = tpu.memref_slice %arg13[%dma_wait3A_143, %dma_wait3A_144] : memref<10112x128xf32, #tpu.memory_space<vmem_shared>> -> memref<10112x128xf32, #tpu.memory_space<vmem_shared>>
        tpu.wait_indirect_dma semaphore(%arg18 : memref<!tpu.dma_semaphore, #tpu.memory_space<semaphore_mem>>) src(%arg11 : memref<128x128xf32, #tpu.memory_space<vmem>>) dst(%dma_wait3A_145 : memref<10112x128xf32, #tpu.memory_space<vmem_shared>>)
      } else {
      }
      %dma_start3A_90 = arith.constant 0 : i32
      %dma_start3A_91 = arith.constant 0 : i32
      %dma_start3A_92 = tpu.memref_slice %arg2[%dma_start3A_90, %dma_start3A_91] : memref<20224x128xf32, #tpu.memory_space<hbm>> -> memref<20224x128xf32, #tpu.memory_space<hbm>>
      tpu.enqueue_indirect_dma source(%dma_start3A_92 : memref<20224x128xf32, #tpu.memory_space<hbm>>) target(%arg11 : memref<128x128xf32, #tpu.memory_space<vmem>>) offsets(%arg7 : memref<128xi32, #tpu.memory_space<vmem>>) semaphore(%arg16 : memref<!tpu.dma_semaphore, #tpu.memory_space<semaphore_mem>>)
      %ge3A_93 = arith.constant 1 : i32
      %ge3A_94 = arith.cmpi sge, %scan3A_68, %ge3A_93 : i32
      %convert_element_type3A_95 = arith.extui %ge3A_94 : i1 to i32
      %cond3A_96 = arith.constant 0 : i32
      %cond3A_97 = arith.cmpi ne, %convert_element_type3A_95, %cond3A_96 : i32
      scf.if %cond3A_97 {
        %dma_wait3A_139 = arith.constant 0 : i32
        %dma_wait3A_140 = arith.constant 0 : i32
        %dma_wait3A_141 = tpu.memref_slice %arg2[%dma_wait3A_139, %dma_wait3A_140] : memref<20224x128xf32, #tpu.memory_space<hbm>> -> memref<20224x128xf32, #tpu.memory_space<hbm>>
        tpu.wait_indirect_dma semaphore(%arg17 : memref<!tpu.dma_semaphore, #tpu.memory_space<semaphore_mem>>) src(%dma_wait3A_141 : memref<20224x128xf32, #tpu.memory_space<hbm>>) dst(%arg12 : memref<128x128xf32, #tpu.memory_space<vmem>>)
        %dma_start3A_142 = arith.constant 0 : i32
        %dma_start3A_143 = arith.constant 0 : i32
        %dma_start3A_144 = tpu.memref_slice %arg10[%dma_start3A_142, %dma_start3A_143] : memref<1x128xi32, #tpu.memory_space<vmem>> -> memref<1x128xi32, #tpu.memory_space<vmem>>
        %dma_start3A_145 = tpu.memref_squeeze %dma_start3A_144 : memref<1x128xi32, #tpu.memory_space<vmem>> -> memref<128xi32, #tpu.memory_space<vmem>>
        %dma_start3A_146 = arith.constant 0 : i32
        %dma_start3A_147 = arith.constant 0 : i32
        %dma_start3A_148 = tpu.memref_slice %arg13[%dma_start3A_146, %dma_start3A_147] : memref<10112x128xf32, #tpu.memory_space<vmem_shared>> -> memref<10112x128xf32, #tpu.memory_space<vmem_shared>>
        tpu.enqueue_indirect_dma source(%arg12 : memref<128x128xf32, #tpu.memory_space<vmem>>) target(%dma_start3A_148 : memref<10112x128xf32, #tpu.memory_space<vmem_shared>>) offsets(%dma_start3A_145 : memref<128xi32, #tpu.memory_space<vmem>>) semaphore(%arg19 : memref<!tpu.dma_semaphore, #tpu.memory_space<semaphore_mem>>) {add = true}
        %add3A_149 = arith.constant 1 : i32
        %add3A_150 = arith.addi %add3A_72, %add3A_149 : i32
        %add3A_151 = arith.addi %mul3A_0, %add3A_150 : i32
        %mul3A_152 = arith.constant 128 : i32
        %mul3A_153 = arith.muli %add3A_151, %mul3A_152 : i32
        %mul3A_154 = arith.constant 163840 : i32
        %mul3A_155 = arith.muli %arg0, %mul3A_154 : i32
        %add3A_156 = arith.addi %mul3A_155, %mul3A_153 : i32
        %dma_start3A_157 = tpu.memref_slice %arg3[%add3A_156] : memref<327680xi32, #tpu.memory_space<hbm>> -> memref<128xi32, #tpu.memory_space<hbm>>
        %dma_start3A_158 = tpu.memref_slice %arg3[%add3A_156] : memref<327680xi32, #tpu.memory_space<hbm>> -> memref<128xi32, #tpu.memory_space<hbm>>
        tpu.enqueue_dma source(%dma_start3A_158 : memref<128xi32, #tpu.memory_space<hbm>>) target(%arg8 : memref<128xi32, #tpu.memory_space<vmem>>) target_semaphore(%arg15 : memref<!tpu.dma_semaphore, #tpu.memory_space<semaphore_mem>>)
        %dma_start3A_159 = arith.constant 0 : i32
        %dma_start3A_160 = arith.constant 0 : i32
        %dma_start3A_161 = tpu.memref_slice %arg10[%dma_start3A_159, %dma_start3A_160] : memref<1x128xi32, #tpu.memory_space<vmem>> -> memref<1x128xi32, #tpu.memory_space<vmem>>
        %dma_start3A_162 = tpu.memref_squeeze %dma_start3A_161 : memref<1x128xi32, #tpu.memory_space<vmem>> -> memref<128xi32, #tpu.memory_space<vmem>>
        %dma_start3A_163 = tpu.memref_slice %arg4[%mul3A_153] : memref<163840xi32, #tpu.memory_space<hbm>> -> memref<128xi32, #tpu.memory_space<hbm>>
        %dma_start3A_164 = arith.constant 0 : i32
        %dma_start3A_165 = tpu.memref_slice %arg10[%dma_start3A_159, %dma_start3A_164] : memref<1x128xi32, #tpu.memory_space<vmem>> -> memref<1x128xi32, #tpu.memory_space<vmem>>
        %dma_start3A_166 = tpu.memref_squeeze %dma_start3A_165 : memref<1x128xi32, #tpu.memory_space<vmem>> -> memref<128xi32, #tpu.memory_space<vmem>>
        %dma_start3A_167 = tpu.memref_slice %arg4[%mul3A_153] : memref<163840xi32, #tpu.memory_space<hbm>> -> memref<128xi32, #tpu.memory_space<hbm>>
        tpu.enqueue_dma source(%dma_start3A_167 : memref<128xi32, #tpu.memory_space<hbm>>) target(%dma_start3A_166 : memref<128xi32, #tpu.memory_space<vmem>>) target_semaphore(%arg15 : memref<!tpu.dma_semaphore, #tpu.memory_space<semaphore_mem>>)
      } else {
      }
      %mul3A_98 = arith.constant 2 : i32
      %mul3A_99 = arith.muli %mul3A_98, %scan3A_68 : i32
      %add3A_100 = arith.constant 1 : i32
      %add3A_101 = arith.addi %mul3A_99, %add3A_100 : i32
      %dma_wait3A_102 = arith.constant 0 : i32
      %dma_wait3A_103 = tpu.memref_slice %arg3[%dma_wait3A_102] : memref<327680xi32, #tpu.memory_space<hbm>> -> memref<128xi32, #tpu.memory_space<hbm>>
      %dma_wait3A_104 = arith.constant 0 : i32
      %dma_wait3A_105 = tpu.memref_slice %arg3[%dma_wait3A_104] : memref<327680xi32, #tpu.memory_space<hbm>> -> memref<128xi32, #tpu.memory_space<hbm>>
      tpu.wait_dma2 semaphore(%arg15 : memref<!tpu.dma_semaphore, #tpu.memory_space<semaphore_mem>>) src(%dma_wait3A_105 : memref<128xi32, #tpu.memory_space<hbm>>) dst(%arg8 : memref<128xi32, #tpu.memory_space<vmem>>)
      %dma_wait3A_106 = arith.constant 0 : i32
      %dma_wait3A_107 = arith.constant 0 : i32
      %dma_wait3A_108 = tpu.memref_slice %arg10[%dma_wait3A_106, %dma_wait3A_107] : memref<1x128xi32, #tpu.memory_space<vmem>> -> memref<1x128xi32, #tpu.memory_space<vmem>>
      %dma_wait3A_109 = tpu.memref_squeeze %dma_wait3A_108 : memref<1x128xi32, #tpu.memory_space<vmem>> -> memref<128xi32, #tpu.memory_space<vmem>>
      %dma_wait3A_110 = arith.constant 0 : i32
      %dma_wait3A_111 = tpu.memref_slice %arg4[%dma_wait3A_110] : memref<163840xi32, #tpu.memory_space<hbm>> -> memref<128xi32, #tpu.memory_space<hbm>>
      %dma_wait3A_112 = arith.constant 0 : i32
      %dma_wait3A_113 = tpu.memref_slice %arg10[%dma_wait3A_106, %dma_wait3A_112] : memref<1x128xi32, #tpu.memory_space<vmem>> -> memref<1x128xi32, #tpu.memory_space<vmem>>
      %dma_wait3A_114 = tpu.memref_squeeze %dma_wait3A_113 : memref<1x128xi32, #tpu.memory_space<vmem>> -> memref<128xi32, #tpu.memory_space<vmem>>
      %dma_wait3A_115 = arith.constant 0 : i32
      %dma_wait3A_116 = tpu.memref_slice %arg4[%dma_wait3A_115] : memref<163840xi32, #tpu.memory_space<hbm>> -> memref<128xi32, #tpu.memory_space<hbm>>
      tpu.wait_dma2 semaphore(%arg15 : memref<!tpu.dma_semaphore, #tpu.memory_space<semaphore_mem>>) src(%dma_wait3A_116 : memref<128xi32, #tpu.memory_space<hbm>>) dst(%dma_wait3A_114 : memref<128xi32, #tpu.memory_space<vmem>>)
      %ge3A_117 = arith.constant 1 : i32
      %ge3A_118 = arith.cmpi sge, %scan3A_68, %ge3A_117 : i32
      %convert_element_type3A_119 = arith.extui %ge3A_118 : i1 to i32
      %cond3A_120 = arith.constant 0 : i32
      %cond3A_121 = arith.cmpi ne, %convert_element_type3A_119, %cond3A_120 : i32
      scf.if %cond3A_121 {
        %dma_wait3A_139 = arith.constant 0 : i32
        %dma_wait3A_140 = arith.constant 0 : i32
        %dma_wait3A_141 = tpu.memref_slice %arg10[%dma_wait3A_139, %dma_wait3A_140] : memref<1x128xi32, #tpu.memory_space<vmem>> -> memref<1x128xi32, #tpu.memory_space<vmem>>
        %dma_wait3A_142 = tpu.memref_squeeze %dma_wait3A_141 : memref<1x128xi32, #tpu.memory_space<vmem>> -> memref<128xi32, #tpu.memory_space<vmem>>
        %dma_wait3A_143 = arith.constant 0 : i32
        %dma_wait3A_144 = arith.constant 0 : i32
        %dma_wait3A_145 = tpu.memref_slice %arg13[%dma_wait3A_143, %dma_wait3A_144] : memref<10112x128xf32, #tpu.memory_space<vmem_shared>> -> memref<10112x128xf32, #tpu.memory_space<vmem_shared>>
        tpu.wait_indirect_dma semaphore(%arg19 : memref<!tpu.dma_semaphore, #tpu.memory_space<semaphore_mem>>) src(%arg12 : memref<128x128xf32, #tpu.memory_space<vmem>>) dst(%dma_wait3A_145 : memref<10112x128xf32, #tpu.memory_space<vmem_shared>>)
      } else {
      }
      %dma_start3A_122 = arith.constant 0 : i32
      %dma_start3A_123 = arith.constant 0 : i32
      %dma_start3A_124 = tpu.memref_slice %arg2[%dma_start3A_122, %dma_start3A_123] : memref<20224x128xf32, #tpu.memory_space<hbm>> -> memref<20224x128xf32, #tpu.memory_space<hbm>>
      tpu.enqueue_indirect_dma source(%dma_start3A_124 : memref<20224x128xf32, #tpu.memory_space<hbm>>) target(%arg12 : memref<128x128xf32, #tpu.memory_space<vmem>>) offsets(%arg8 : memref<128xi32, #tpu.memory_space<vmem>>) semaphore(%arg17 : memref<!tpu.dma_semaphore, #tpu.memory_space<semaphore_mem>>)
      %dma_wait3A_125 = arith.constant 0 : i32
      %dma_wait3A_126 = arith.constant 0 : i32
      %dma_wait3A_127 = tpu.memref_slice %arg2[%dma_wait3A_125, %dma_wait3A_126] : memref<20224x128xf32, #tpu.memory_space<hbm>> -> memref<20224x128xf32, #tpu.memory_space<hbm>>
      tpu.wait_indirect_dma semaphore(%arg16 : memref<!tpu.dma_semaphore, #tpu.memory_space<semaphore_mem>>) src(%dma_wait3A_127 : memref<20224x128xf32, #tpu.memory_space<hbm>>) dst(%arg11 : memref<128x128xf32, #tpu.memory_space<vmem>>)
      %dma_start3A_128 = arith.constant 0 : i32
      %dma_start3A_129 = arith.constant 0 : i32
      %dma_start3A_130 = tpu.memref_slice %arg9[%dma_start3A_128, %dma_start3A_129] : memref<1x128xi32, #tpu.memory_space<vmem>> -> memref<1x128xi32, #tpu.memory_space<vmem>>
      %dma_start3A_131 = tpu.memref_squeeze %dma_start3A_130 : memref<1x128xi32, #tpu.memory_space<vmem>> -> memref<128xi32, #tpu.memory_space<vmem>>
      %dma_start3A_132 = arith.constant 0 : i32
      %dma_start3A_133 = arith.constant 0 : i32
      %dma_start3A_134 = tpu.memref_slice %arg13[%dma_start3A_132, %dma_start3A_133] : memref<10112x128xf32, #tpu.memory_space<vmem_shared>> -> memref<10112x128xf32, #tpu.memory_space<vmem_shared>>
      tpu.enqueue_indirect_dma source(%arg11 : memref<128x128xf32, #tpu.memory_space<vmem>>) target(%dma_start3A_134 : memref<10112x128xf32, #tpu.memory_space<vmem_shared>>) offsets(%dma_start3A_131 : memref<128xi32, #tpu.memory_space<vmem>>) semaphore(%arg18 : memref<!tpu.dma_semaphore, #tpu.memory_space<semaphore_mem>>) {add = true}
      %lt3A = arith.constant 39 : i32
      %lt3A_135 = arith.cmpi slt, %scan3A_68, %lt3A : i32
      %convert_element_type3A_136 = arith.extui %lt3A_135 : i1 to i32
      %cond3A_137 = arith.constant 0 : i32
      %cond3A_138 = arith.cmpi ne, %convert_element_type3A_136, %cond3A_137 : i32
      scf.if %cond3A_138 {
        %add3A_139 = arith.constant 1 : i32
        %add3A_140 = arith.addi %add3A_101, %add3A_139 : i32
        %add3A_141 = arith.addi %mul3A_0, %add3A_140 : i32
        %mul3A_142 = arith.constant 128 : i32
        %mul3A_143 = arith.muli %add3A_141, %mul3A_142 : i32
        %mul3A_144 = arith.constant 163840 : i32
        %mul3A_145 = arith.muli %arg0, %mul3A_144 : i32
        %add3A_146 = arith.addi %mul3A_145, %mul3A_143 : i32
        %dma_start3A_147 = tpu.memref_slice %arg3[%add3A_146] : memref<327680xi32, #tpu.memory_space<hbm>> -> memref<128xi32, #tpu.memory_space<hbm>>
        %dma_start3A_148 = tpu.memref_slice %arg3[%add3A_146] : memref<327680xi32, #tpu.memory_space<hbm>> -> memref<128xi32, #tpu.memory_space<hbm>>
        tpu.enqueue_dma source(%dma_start3A_148 : memref<128xi32, #tpu.memory_space<hbm>>) target(%arg7 : memref<128xi32, #tpu.memory_space<vmem>>) target_semaphore(%arg14 : memref<!tpu.dma_semaphore, #tpu.memory_space<semaphore_mem>>)
        %dma_start3A_149 = arith.constant 0 : i32
        %dma_start3A_150 = arith.constant 0 : i32
        %dma_start3A_151 = tpu.memref_slice %arg9[%dma_start3A_149, %dma_start3A_150] : memref<1x128xi32, #tpu.memory_space<vmem>> -> memref<1x128xi32, #tpu.memory_space<vmem>>
        %dma_start3A_152 = tpu.memref_squeeze %dma_start3A_151 : memref<1x128xi32, #tpu.memory_space<vmem>> -> memref<128xi32, #tpu.memory_space<vmem>>
        %dma_start3A_153 = tpu.memref_slice %arg4[%mul3A_143] : memref<163840xi32, #tpu.memory_space<hbm>> -> memref<128xi32, #tpu.memory_space<hbm>>
        %dma_start3A_154 = arith.constant 0 : i32
        %dma_start3A_155 = tpu.memref_slice %arg9[%dma_start3A_149, %dma_start3A_154] : memref<1x128xi32, #tpu.memory_space<vmem>> -> memref<1x128xi32, #tpu.memory_space<vmem>>
        %dma_start3A_156 = tpu.memref_squeeze %dma_start3A_155 : memref<1x128xi32, #tpu.memory_space<vmem>> -> memref<128xi32, #tpu.memory_space<vmem>>
        %dma_start3A_157 = tpu.memref_slice %arg4[%mul3A_143] : memref<163840xi32, #tpu.memory_space<hbm>> -> memref<128xi32, #tpu.memory_space<hbm>>
        tpu.enqueue_dma source(%dma_start3A_157 : memref<128xi32, #tpu.memory_space<hbm>>) target(%dma_start3A_156 : memref<128xi32, #tpu.memory_space<vmem>>) target_semaphore(%arg14 : memref<!tpu.dma_semaphore, #tpu.memory_space<semaphore_mem>>)
      } else {
      }
    }
    %scan3A_41 = arith.constant 40 : i32
    %dma_wait3A = arith.constant 0 : i32
    %dma_wait3A_42 = arith.constant 0 : i32
    %dma_wait3A_43 = tpu.memref_slice %arg2[%dma_wait3A, %dma_wait3A_42] : memref<20224x128xf32, #tpu.memory_space<hbm>> -> memref<20224x128xf32, #tpu.memory_space<hbm>>
    tpu.wait_indirect_dma semaphore(%arg17 : memref<!tpu.dma_semaphore, #tpu.memory_space<semaphore_mem>>) src(%dma_wait3A_43 : memref<20224x128xf32, #tpu.memory_space<hbm>>) dst(%arg12 : memref<128x128xf32, #tpu.memory_space<vmem>>)
    %dma_start3A_44 = arith.constant 0 : i32
    %dma_start3A_45 = arith.constant 0 : i32
    %dma_start3A_46 = tpu.memref_slice %arg10[%dma_start3A_44, %dma_start3A_45] : memref<1x128xi32, #tpu.memory_space<vmem>> -> memref<1x128xi32, #tpu.memory_space<vmem>>
    %dma_start3A_47 = tpu.memref_squeeze %dma_start3A_46 : memref<1x128xi32, #tpu.memory_space<vmem>> -> memref<128xi32, #tpu.memory_space<vmem>>
    %dma_start3A_48 = arith.constant 0 : i32
    %dma_start3A_49 = arith.constant 0 : i32
    %dma_start3A_50 = tpu.memref_slice %arg13[%dma_start3A_48, %dma_start3A_49] : memref<10112x128xf32, #tpu.memory_space<vmem_shared>> -> memref<10112x128xf32, #tpu.memory_space<vmem_shared>>
    tpu.enqueue_indirect_dma source(%arg12 : memref<128x128xf32, #tpu.memory_space<vmem>>) target(%dma_start3A_50 : memref<10112x128xf32, #tpu.memory_space<vmem_shared>>) offsets(%dma_start3A_47 : memref<128xi32, #tpu.memory_space<vmem>>) semaphore(%arg19 : memref<!tpu.dma_semaphore, #tpu.memory_space<semaphore_mem>>) {add = true}
    %dma_wait3A_51 = arith.constant 0 : i32
    %dma_wait3A_52 = arith.constant 0 : i32
    %dma_wait3A_53 = tpu.memref_slice %arg9[%dma_wait3A_51, %dma_wait3A_52] : memref<1x128xi32, #tpu.memory_space<vmem>> -> memref<1x128xi32, #tpu.memory_space<vmem>>
    %dma_wait3A_54 = tpu.memref_squeeze %dma_wait3A_53 : memref<1x128xi32, #tpu.memory_space<vmem>> -> memref<128xi32, #tpu.memory_space<vmem>>
    %dma_wait3A_55 = arith.constant 0 : i32
    %dma_wait3A_56 = arith.constant 0 : i32
    %dma_wait3A_57 = tpu.memref_slice %arg13[%dma_wait3A_55, %dma_wait3A_56] : memref<10112x128xf32, #tpu.memory_space<vmem_shared>> -> memref<10112x128xf32, #tpu.memory_space<vmem_shared>>
    tpu.wait_indirect_dma semaphore(%arg18 : memref<!tpu.dma_semaphore, #tpu.memory_space<semaphore_mem>>) src(%arg11 : memref<128x128xf32, #tpu.memory_space<vmem>>) dst(%dma_wait3A_57 : memref<10112x128xf32, #tpu.memory_space<vmem_shared>>)
    %dma_wait3A_58 = arith.constant 0 : i32
    %dma_wait3A_59 = arith.constant 0 : i32
    %dma_wait3A_60 = tpu.memref_slice %arg10[%dma_wait3A_58, %dma_wait3A_59] : memref<1x128xi32, #tpu.memory_space<vmem>> -> memref<1x128xi32, #tpu.memory_space<vmem>>
    %dma_wait3A_61 = tpu.memref_squeeze %dma_wait3A_60 : memref<1x128xi32, #tpu.memory_space<vmem>> -> memref<128xi32, #tpu.memory_space<vmem>>
    %dma_wait3A_62 = arith.constant 0 : i32
    %dma_wait3A_63 = arith.constant 0 : i32
    %dma_wait3A_64 = tpu.memref_slice %arg13[%dma_wait3A_62, %dma_wait3A_63] : memref<10112x128xf32, #tpu.memory_space<vmem_shared>> -> memref<10112x128xf32, #tpu.memory_space<vmem_shared>>
    tpu.wait_indirect_dma semaphore(%arg19 : memref<!tpu.dma_semaphore, #tpu.memory_space<semaphore_mem>>) src(%arg12 : memref<128x128xf32, #tpu.memory_space<vmem>>) dst(%dma_wait3A_64 : memref<10112x128xf32, #tpu.memory_space<vmem_shared>>)
    %barrier3A_65 = arith.constant 0 : index
    tpu.barrier barrier_id(%barrier3A_65)
    %mul3A_66 = arith.constant 632 : i32
    %mul3A_67 = arith.muli %arg1, %mul3A_66 : i32
    "tpu.region"() ({
      %run_scoped3A = tpu.sem_alloc : memref<!tpu.dma_semaphore, #tpu.memory_space<semaphore_mem>>
      %dma_start3A_68 = arith.constant 0 : i32
      %dma_start3A_69 = tpu.memref_slice %arg6[%arg0, %mul3A_67, %dma_start3A_68] : memref<2x10112x128xf32, #tpu.memory_space<hbm>> -> memref<1x632x128xf32, #tpu.memory_space<hbm>>
      %dma_start3A_70 = tpu.memref_squeeze %dma_start3A_69 : memref<1x632x128xf32, #tpu.memory_space<hbm>> -> memref<632x128xf32, #tpu.memory_space<hbm>>
      %dma_start3A_71 = arith.constant 0 : i32
      %dma_start3A_72 = tpu.memref_slice %arg13[%mul3A_67, %dma_start3A_71] : memref<10112x128xf32, #tpu.memory_space<vmem_shared>> -> memref<632x128xf32, #tpu.memory_space<vmem_shared>>
      tpu.enqueue_dma source(%dma_start3A_72 : memref<632x128xf32, #tpu.memory_space<vmem_shared>>) target(%dma_start3A_70 : memref<632x128xf32, #tpu.memory_space<hbm>>) target_semaphore(%run_scoped3A : memref<!tpu.dma_semaphore, #tpu.memory_space<semaphore_mem>>)
      %dma_wait3A_73 = arith.constant 0 : i32
      %dma_wait3A_74 = tpu.memref_slice %arg6[%arg0, %mul3A_67, %dma_wait3A_73] : memref<2x10112x128xf32, #tpu.memory_space<hbm>> -> memref<1x632x128xf32, #tpu.memory_space<hbm>>
      %dma_wait3A_75 = tpu.memref_squeeze %dma_wait3A_74 : memref<1x632x128xf32, #tpu.memory_space<hbm>> -> memref<632x128xf32, #tpu.memory_space<hbm>>
      %dma_wait3A_76 = arith.constant 0 : i32
      %dma_wait3A_77 = tpu.memref_slice %arg13[%mul3A_67, %dma_wait3A_76] : memref<10112x128xf32, #tpu.memory_space<vmem_shared>> -> memref<632x128xf32, #tpu.memory_space<vmem_shared>>
      tpu.wait_dma2 semaphore(%run_scoped3A : memref<!tpu.dma_semaphore, #tpu.memory_space<semaphore_mem>>) src(%dma_wait3A_77 : memref<632x128xf32, #tpu.memory_space<vmem_shared>>) dst(%dma_wait3A_75 : memref<632x128xf32, #tpu.memory_space<hbm>>)
      tpu.yield
    }) : () -> ()
    return
  }
}

#map = affine_map<(d0, d1) -> (0, 0)>
#map1 = affine_map<(d0, d1) -> (0)>
module attributes {stable_mosaic.version = 14 : i64} {
  func.func @_sc_mpgp_body(%arg0: i32, %arg1: i32, %arg2: memref<20224x128xi32, #tpu.memory_space<hbm>>, %arg3: memref<20224x128xi32, #tpu.memory_space<hbm>>, %arg4: memref<327680xi32, #tpu.memory_space<hbm>>, %arg5: memref<327680xi32, #tpu.memory_space<hbm>>, %arg6: memref<163840x128xi32, #tpu.memory_space<hbm>>, %arg7: memref<163840x128xi32, #tpu.memory_space<hbm>>, %arg8: memref<128xi32, #tpu.memory_space<vmem>>, %arg9: memref<128xi32, #tpu.memory_space<vmem>>, %arg10: memref<128xi32, #tpu.memory_space<vmem>>, %arg11: memref<128xi32, #tpu.memory_space<vmem>>, %arg12: memref<128x128xi32, #tpu.memory_space<vmem>>, %arg13: memref<128x128xi32, #tpu.memory_space<vmem>>, %arg14: memref<128x128xi32, #tpu.memory_space<vmem>>, %arg15: memref<128x128xi32, #tpu.memory_space<vmem>>, %arg16: memref<!tpu.dma_semaphore, #tpu.memory_space<semaphore_mem>>, %arg17: memref<!tpu.dma_semaphore, #tpu.memory_space<semaphore_mem>>, %arg18: memref<!tpu.dma_semaphore, #tpu.memory_space<semaphore_mem>>, %arg19: memref<!tpu.dma_semaphore, #tpu.memory_space<semaphore_mem>>, %arg20: memref<!tpu.dma_semaphore, #tpu.memory_space<semaphore_mem>>, %arg21: memref<!tpu.dma_semaphore, #tpu.memory_space<semaphore_mem>>) attributes {dimension_semantics = [#tpu.dimension_semantics<core_parallel>, #tpu.dimension_semantics<subcore_parallel>], iteration_bounds = array<i64: 2, 16>, scalar_prefetch = 0 : i64, scratch_operands = 14 : i64, tpu.core_type = #tpu.core_type<sc_vector_subcore>, window_params = [{transform_indices = #map}, {transform_indices = #map}, {transform_indices = #map1}, {transform_indices = #map1}, {transform_indices = #map}, {transform_indices = #map}]} {
    %mul3A = arith.constant 2 : i32
    %mul3A_0 = arith.muli %arg1, %mul3A : i32
    %add3A = arith.addi %mul3A_0, %arg0 : i32
    %mul3A_1 = arith.constant 40 : i32
    %mul3A_2 = arith.muli %add3A, %mul3A_1 : i32
    %mul3A_3 = arith.constant 163840 : i32
    %mul3A_4 = arith.muli %arg0, %mul3A_3 : i32
    %add3A_5 = arith.constant 0 : i32
    %add3A_6 = arith.addi %mul3A_2, %add3A_5 : i32
    %mul3A_7 = arith.constant 128 : i32
    %mul3A_8 = arith.muli %add3A_6, %mul3A_7 : i32
    %add3A_9 = arith.addi %mul3A_4, %mul3A_8 : i32
    %dma_start3A = tpu.memref_slice %arg4[%add3A_9] : memref<327680xi32, #tpu.memory_space<hbm>> -> memref<128xi32, #tpu.memory_space<hbm>>
    %dma_start3A_10 = tpu.memref_slice %arg4[%add3A_9] : memref<327680xi32, #tpu.memory_space<hbm>> -> memref<128xi32, #tpu.memory_space<hbm>>
    tpu.enqueue_dma source(%dma_start3A_10 : memref<128xi32, #tpu.memory_space<hbm>>) target(%arg8 : memref<128xi32, #tpu.memory_space<vmem>>) target_semaphore(%arg16 : memref<!tpu.dma_semaphore, #tpu.memory_space<semaphore_mem>>)
    %dma_start3A_11 = tpu.memref_slice %arg5[%add3A_9] : memref<327680xi32, #tpu.memory_space<hbm>> -> memref<128xi32, #tpu.memory_space<hbm>>
    %dma_start3A_12 = tpu.memref_slice %arg5[%add3A_9] : memref<327680xi32, #tpu.memory_space<hbm>> -> memref<128xi32, #tpu.memory_space<hbm>>
    tpu.enqueue_dma source(%dma_start3A_12 : memref<128xi32, #tpu.memory_space<hbm>>) target(%arg10 : memref<128xi32, #tpu.memory_space<vmem>>) target_semaphore(%arg16 : memref<!tpu.dma_semaphore, #tpu.memory_space<semaphore_mem>>)
    %mul3A_13 = arith.constant 163840 : i32
    %mul3A_14 = arith.muli %arg0, %mul3A_13 : i32
    %add3A_15 = arith.constant 1 : i32
    %add3A_16 = arith.addi %mul3A_2, %add3A_15 : i32
    %mul3A_17 = arith.constant 128 : i32
    %mul3A_18 = arith.muli %add3A_16, %mul3A_17 : i32
    %add3A_19 = arith.addi %mul3A_14, %mul3A_18 : i32
    %dma_start3A_20 = tpu.memref_slice %arg4[%add3A_19] : memref<327680xi32, #tpu.memory_space<hbm>> -> memref<128xi32, #tpu.memory_space<hbm>>
    %dma_start3A_21 = tpu.memref_slice %arg4[%add3A_19] : memref<327680xi32, #tpu.memory_space<hbm>> -> memref<128xi32, #tpu.memory_space<hbm>>
    tpu.enqueue_dma source(%dma_start3A_21 : memref<128xi32, #tpu.memory_space<hbm>>) target(%arg9 : memref<128xi32, #tpu.memory_space<vmem>>) target_semaphore(%arg17 : memref<!tpu.dma_semaphore, #tpu.memory_space<semaphore_mem>>)
    %dma_start3A_22 = tpu.memref_slice %arg5[%add3A_19] : memref<327680xi32, #tpu.memory_space<hbm>> -> memref<128xi32, #tpu.memory_space<hbm>>
    %dma_start3A_23 = tpu.memref_slice %arg5[%add3A_19] : memref<327680xi32, #tpu.memory_space<hbm>> -> memref<128xi32, #tpu.memory_space<hbm>>
    tpu.enqueue_dma source(%dma_start3A_23 : memref<128xi32, #tpu.memory_space<hbm>>) target(%arg11 : memref<128xi32, #tpu.memory_space<vmem>>) target_semaphore(%arg17 : memref<!tpu.dma_semaphore, #tpu.memory_space<semaphore_mem>>)
    %scan3A = arith.constant 0 : i32
    %scan3A_24 = arith.constant 0 : i32
    %scan3A_25 = arith.constant 20 : i32
    %scan3A_26 = arith.addi %scan3A_24, %scan3A_25 : i32
    %scan3A_27 = arith.constant 1 : i32
    scf.for %scan3A_71 = %scan3A_24 to %scan3A_26 step %scan3A_27  : i32 {
      %mul3A_72 = arith.constant 2 : i32
      %mul3A_73 = arith.muli %mul3A_72, %scan3A_71 : i32
      %add3A_74 = arith.constant 0 : i32
      %add3A_75 = arith.addi %mul3A_73, %add3A_74 : i32
      %dma_wait3A_76 = arith.constant 0 : i32
      %dma_wait3A_77 = tpu.memref_slice %arg4[%dma_wait3A_76] : memref<327680xi32, #tpu.memory_space<hbm>> -> memref<128xi32, #tpu.memory_space<hbm>>
      %dma_wait3A_78 = arith.constant 0 : i32
      %dma_wait3A_79 = tpu.memref_slice %arg4[%dma_wait3A_78] : memref<327680xi32, #tpu.memory_space<hbm>> -> memref<128xi32, #tpu.memory_space<hbm>>
      tpu.wait_dma2 semaphore(%arg16 : memref<!tpu.dma_semaphore, #tpu.memory_space<semaphore_mem>>) src(%dma_wait3A_79 : memref<128xi32, #tpu.memory_space<hbm>>) dst(%arg8 : memref<128xi32, #tpu.memory_space<vmem>>)
      %dma_wait3A_80 = arith.constant 0 : i32
      %dma_wait3A_81 = tpu.memref_slice %arg5[%dma_wait3A_80] : memref<327680xi32, #tpu.memory_space<hbm>> -> memref<128xi32, #tpu.memory_space<hbm>>
      %dma_wait3A_82 = arith.constant 0 : i32
      %dma_wait3A_83 = tpu.memref_slice %arg5[%dma_wait3A_82] : memref<327680xi32, #tpu.memory_space<hbm>> -> memref<128xi32, #tpu.memory_space<hbm>>
      tpu.wait_dma2 semaphore(%arg16 : memref<!tpu.dma_semaphore, #tpu.memory_space<semaphore_mem>>) src(%dma_wait3A_83 : memref<128xi32, #tpu.memory_space<hbm>>) dst(%arg10 : memref<128xi32, #tpu.memory_space<vmem>>)
      %ge3A = arith.constant 1 : i32
      %ge3A_84 = arith.cmpi sge, %scan3A_71, %ge3A : i32
      %convert_element_type3A = arith.extui %ge3A_84 : i1 to i32
      %cond3A = arith.constant 0 : i32
      %cond3A_85 = arith.cmpi ne, %convert_element_type3A, %cond3A : i32
      scf.if %cond3A_85 {
        %dma_wait3A_143 = arith.constant 0 : i32
        %dma_wait3A_144 = arith.constant 0 : i32
        %dma_wait3A_145 = tpu.memref_slice %arg6[%dma_wait3A_143, %dma_wait3A_144] : memref<163840x128xi32, #tpu.memory_space<hbm>> -> memref<128x128xi32, #tpu.memory_space<hbm>>
        %dma_wait3A_146 = arith.constant 0 : i32
        %dma_wait3A_147 = arith.constant 0 : i32
        %dma_wait3A_148 = tpu.memref_slice %arg6[%dma_wait3A_146, %dma_wait3A_147] : memref<163840x128xi32, #tpu.memory_space<hbm>> -> memref<128x128xi32, #tpu.memory_space<hbm>>
        tpu.wait_dma2 semaphore(%arg20 : memref<!tpu.dma_semaphore, #tpu.memory_space<semaphore_mem>>) src(%arg12 : memref<128x128xi32, #tpu.memory_space<vmem>>) dst(%dma_wait3A_148 : memref<128x128xi32, #tpu.memory_space<hbm>>)
        %dma_wait3A_149 = arith.constant 0 : i32
        %dma_wait3A_150 = arith.constant 0 : i32
        %dma_wait3A_151 = tpu.memref_slice %arg7[%dma_wait3A_149, %dma_wait3A_150] : memref<163840x128xi32, #tpu.memory_space<hbm>> -> memref<128x128xi32, #tpu.memory_space<hbm>>
        %dma_wait3A_152 = arith.constant 0 : i32
        %dma_wait3A_153 = arith.constant 0 : i32
        %dma_wait3A_154 = tpu.memref_slice %arg7[%dma_wait3A_152, %dma_wait3A_153] : memref<163840x128xi32, #tpu.memory_space<hbm>> -> memref<128x128xi32, #tpu.memory_space<hbm>>
        tpu.wait_dma2 semaphore(%arg20 : memref<!tpu.dma_semaphore, #tpu.memory_space<semaphore_mem>>) src(%arg14 : memref<128x128xi32, #tpu.memory_space<vmem>>) dst(%dma_wait3A_154 : memref<128x128xi32, #tpu.memory_space<hbm>>)
      } else {
      }
      %dma_start3A_86 = arith.constant 0 : i32
      %dma_start3A_87 = arith.constant 0 : i32
      %dma_start3A_88 = tpu.memref_slice %arg2[%dma_start3A_86, %dma_start3A_87] : memref<20224x128xi32, #tpu.memory_space<hbm>> -> memref<20224x128xi32, #tpu.memory_space<hbm>>
      tpu.enqueue_indirect_dma source(%dma_start3A_88 : memref<20224x128xi32, #tpu.memory_space<hbm>>) target(%arg12 : memref<128x128xi32, #tpu.memory_space<vmem>>) offsets(%arg8 : memref<128xi32, #tpu.memory_space<vmem>>) semaphore(%arg18 : memref<!tpu.dma_semaphore, #tpu.memory_space<semaphore_mem>>)
      %dma_start3A_89 = arith.constant 0 : i32
      %dma_start3A_90 = arith.constant 0 : i32
      %dma_start3A_91 = tpu.memref_slice %arg3[%dma_start3A_89, %dma_start3A_90] : memref<20224x128xi32, #tpu.memory_space<hbm>> -> memref<20224x128xi32, #tpu.memory_space<hbm>>
      tpu.enqueue_indirect_dma source(%dma_start3A_91 : memref<20224x128xi32, #tpu.memory_space<hbm>>) target(%arg14 : memref<128x128xi32, #tpu.memory_space<vmem>>) offsets(%arg10 : memref<128xi32, #tpu.memory_space<vmem>>) semaphore(%arg18 : memref<!tpu.dma_semaphore, #tpu.memory_space<semaphore_mem>>)
      %ge3A_92 = arith.constant 1 : i32
      %ge3A_93 = arith.cmpi sge, %scan3A_71, %ge3A_92 : i32
      %convert_element_type3A_94 = arith.extui %ge3A_93 : i1 to i32
      %cond3A_95 = arith.constant 0 : i32
      %cond3A_96 = arith.cmpi ne, %convert_element_type3A_94, %cond3A_95 : i32
      scf.if %cond3A_96 {
        %dma_wait3A_143 = arith.constant 0 : i32
        %dma_wait3A_144 = arith.constant 0 : i32
        %dma_wait3A_145 = tpu.memref_slice %arg2[%dma_wait3A_143, %dma_wait3A_144] : memref<20224x128xi32, #tpu.memory_space<hbm>> -> memref<20224x128xi32, #tpu.memory_space<hbm>>
        tpu.wait_indirect_dma semaphore(%arg19 : memref<!tpu.dma_semaphore, #tpu.memory_space<semaphore_mem>>) src(%dma_wait3A_145 : memref<20224x128xi32, #tpu.memory_space<hbm>>) dst(%arg13 : memref<128x128xi32, #tpu.memory_space<vmem>>)
        %dma_wait3A_146 = arith.constant 0 : i32
        %dma_wait3A_147 = arith.constant 0 : i32
        %dma_wait3A_148 = tpu.memref_slice %arg3[%dma_wait3A_146, %dma_wait3A_147] : memref<20224x128xi32, #tpu.memory_space<hbm>> -> memref<20224x128xi32, #tpu.memory_space<hbm>>
        tpu.wait_indirect_dma semaphore(%arg19 : memref<!tpu.dma_semaphore, #tpu.memory_space<semaphore_mem>>) src(%dma_wait3A_148 : memref<20224x128xi32, #tpu.memory_space<hbm>>) dst(%arg15 : memref<128x128xi32, #tpu.memory_space<vmem>>)
        %add3A_149 = arith.addi %mul3A_2, %add3A_75 : i32
        %sub3A_150 = arith.constant 1 : i32
        %sub3A_151 = arith.subi %add3A_149, %sub3A_150 : i32
        %mul3A_152 = arith.constant 128 : i32
        %mul3A_153 = arith.muli %sub3A_151, %mul3A_152 : i32
        %dma_start3A_154 = arith.constant 0 : i32
        %dma_start3A_155 = tpu.memref_slice %arg6[%mul3A_153, %dma_start3A_154] : memref<163840x128xi32, #tpu.memory_space<hbm>> -> memref<128x128xi32, #tpu.memory_space<hbm>>
        %dma_start3A_156 = arith.constant 0 : i32
        %dma_start3A_157 = tpu.memref_slice %arg6[%mul3A_153, %dma_start3A_156] : memref<163840x128xi32, #tpu.memory_space<hbm>> -> memref<128x128xi32, #tpu.memory_space<hbm>>
        tpu.enqueue_dma source(%arg13 : memref<128x128xi32, #tpu.memory_space<vmem>>) target(%dma_start3A_157 : memref<128x128xi32, #tpu.memory_space<hbm>>) target_semaphore(%arg21 : memref<!tpu.dma_semaphore, #tpu.memory_space<semaphore_mem>>)
        %dma_start3A_158 = arith.constant 0 : i32
        %dma_start3A_159 = tpu.memref_slice %arg7[%mul3A_153, %dma_start3A_158] : memref<163840x128xi32, #tpu.memory_space<hbm>> -> memref<128x128xi32, #tpu.memory_space<hbm>>
        %dma_start3A_160 = arith.constant 0 : i32
        %dma_start3A_161 = tpu.memref_slice %arg7[%mul3A_153, %dma_start3A_160] : memref<163840x128xi32, #tpu.memory_space<hbm>> -> memref<128x128xi32, #tpu.memory_space<hbm>>
        tpu.enqueue_dma source(%arg15 : memref<128x128xi32, #tpu.memory_space<vmem>>) target(%dma_start3A_161 : memref<128x128xi32, #tpu.memory_space<hbm>>) target_semaphore(%arg21 : memref<!tpu.dma_semaphore, #tpu.memory_space<semaphore_mem>>)
        %add3A_162 = arith.constant 1 : i32
        %add3A_163 = arith.addi %add3A_75, %add3A_162 : i32
        %mul3A_164 = arith.constant 163840 : i32
        %mul3A_165 = arith.muli %arg0, %mul3A_164 : i32
        %add3A_166 = arith.addi %mul3A_2, %add3A_163 : i32
        %mul3A_167 = arith.constant 128 : i32
        %mul3A_168 = arith.muli %add3A_166, %mul3A_167 : i32
        %add3A_169 = arith.addi %mul3A_165, %mul3A_168 : i32
        %dma_start3A_170 = tpu.memref_slice %arg4[%add3A_169] : memref<327680xi32, #tpu.memory_space<hbm>> -> memref<128xi32, #tpu.memory_space<hbm>>
        %dma_start3A_171 = tpu.memref_slice %arg4[%add3A_169] : memref<327680xi32, #tpu.memory_space<hbm>> -> memref<128xi32, #tpu.memory_space<hbm>>
        tpu.enqueue_dma source(%dma_start3A_171 : memref<128xi32, #tpu.memory_space<hbm>>) target(%arg9 : memref<128xi32, #tpu.memory_space<vmem>>) target_semaphore(%arg17 : memref<!tpu.dma_semaphore, #tpu.memory_space<semaphore_mem>>)
        %dma_start3A_172 = tpu.memref_slice %arg5[%add3A_169] : memref<327680xi32, #tpu.memory_space<hbm>> -> memref<128xi32, #tpu.memory_space<hbm>>
        %dma_start3A_173 = tpu.memref_slice %arg5[%add3A_169] : memref<327680xi32, #tpu.memory_space<hbm>> -> memref<128xi32, #tpu.memory_space<hbm>>
        tpu.enqueue_dma source(%dma_start3A_173 : memref<128xi32, #tpu.memory_space<hbm>>) target(%arg11 : memref<128xi32, #tpu.memory_space<vmem>>) target_semaphore(%arg17 : memref<!tpu.dma_semaphore, #tpu.memory_space<semaphore_mem>>)
      } else {
      }
      %mul3A_97 = arith.constant 2 : i32
      %mul3A_98 = arith.muli %mul3A_97, %scan3A_71 : i32
      %add3A_99 = arith.constant 1 : i32
      %add3A_100 = arith.addi %mul3A_98, %add3A_99 : i32
      %dma_wait3A_101 = arith.constant 0 : i32
      %dma_wait3A_102 = tpu.memref_slice %arg4[%dma_wait3A_101] : memref<327680xi32, #tpu.memory_space<hbm>> -> memref<128xi32, #tpu.memory_space<hbm>>
      %dma_wait3A_103 = arith.constant 0 : i32
      %dma_wait3A_104 = tpu.memref_slice %arg4[%dma_wait3A_103] : memref<327680xi32, #tpu.memory_space<hbm>> -> memref<128xi32, #tpu.memory_space<hbm>>
      tpu.wait_dma2 semaphore(%arg17 : memref<!tpu.dma_semaphore, #tpu.memory_space<semaphore_mem>>) src(%dma_wait3A_104 : memref<128xi32, #tpu.memory_space<hbm>>) dst(%arg9 : memref<128xi32, #tpu.memory_space<vmem>>)
      %dma_wait3A_105 = arith.constant 0 : i32
      %dma_wait3A_106 = tpu.memref_slice %arg5[%dma_wait3A_105] : memref<327680xi32, #tpu.memory_space<hbm>> -> memref<128xi32, #tpu.memory_space<hbm>>
      %dma_wait3A_107 = arith.constant 0 : i32
      %dma_wait3A_108 = tpu.memref_slice %arg5[%dma_wait3A_107] : memref<327680xi32, #tpu.memory_space<hbm>> -> memref<128xi32, #tpu.memory_space<hbm>>
      tpu.wait_dma2 semaphore(%arg17 : memref<!tpu.dma_semaphore, #tpu.memory_space<semaphore_mem>>) src(%dma_wait3A_108 : memref<128xi32, #tpu.memory_space<hbm>>) dst(%arg11 : memref<128xi32, #tpu.memory_space<vmem>>)
      %ge3A_109 = arith.constant 1 : i32
      %ge3A_110 = arith.cmpi sge, %scan3A_71, %ge3A_109 : i32
      %convert_element_type3A_111 = arith.extui %ge3A_110 : i1 to i32
      %cond3A_112 = arith.constant 0 : i32
      %cond3A_113 = arith.cmpi ne, %convert_element_type3A_111, %cond3A_112 : i32
      scf.if %cond3A_113 {
        %dma_wait3A_143 = arith.constant 0 : i32
        %dma_wait3A_144 = arith.constant 0 : i32
        %dma_wait3A_145 = tpu.memref_slice %arg6[%dma_wait3A_143, %dma_wait3A_144] : memref<163840x128xi32, #tpu.memory_space<hbm>> -> memref<128x128xi32, #tpu.memory_space<hbm>>
        %dma_wait3A_146 = arith.constant 0 : i32
        %dma_wait3A_147 = arith.constant 0 : i32
        %dma_wait3A_148 = tpu.memref_slice %arg6[%dma_wait3A_146, %dma_wait3A_147] : memref<163840x128xi32, #tpu.memory_space<hbm>> -> memref<128x128xi32, #tpu.memory_space<hbm>>
        tpu.wait_dma2 semaphore(%arg21 : memref<!tpu.dma_semaphore, #tpu.memory_space<semaphore_mem>>) src(%arg13 : memref<128x128xi32, #tpu.memory_space<vmem>>) dst(%dma_wait3A_148 : memref<128x128xi32, #tpu.memory_space<hbm>>)
        %dma_wait3A_149 = arith.constant 0 : i32
        %dma_wait3A_150 = arith.constant 0 : i32
        %dma_wait3A_151 = tpu.memref_slice %arg7[%dma_wait3A_149, %dma_wait3A_150] : memref<163840x128xi32, #tpu.memory_space<hbm>> -> memref<128x128xi32, #tpu.memory_space<hbm>>
        %dma_wait3A_152 = arith.constant 0 : i32
        %dma_wait3A_153 = arith.constant 0 : i32
        %dma_wait3A_154 = tpu.memref_slice %arg7[%dma_wait3A_152, %dma_wait3A_153] : memref<163840x128xi32, #tpu.memory_space<hbm>> -> memref<128x128xi32, #tpu.memory_space<hbm>>
        tpu.wait_dma2 semaphore(%arg21 : memref<!tpu.dma_semaphore, #tpu.memory_space<semaphore_mem>>) src(%arg15 : memref<128x128xi32, #tpu.memory_space<vmem>>) dst(%dma_wait3A_154 : memref<128x128xi32, #tpu.memory_space<hbm>>)
      } else {
      }
      %dma_start3A_114 = arith.constant 0 : i32
      %dma_start3A_115 = arith.constant 0 : i32
      %dma_start3A_116 = tpu.memref_slice %arg2[%dma_start3A_114, %dma_start3A_115] : memref<20224x128xi32, #tpu.memory_space<hbm>> -> memref<20224x128xi32, #tpu.memory_space<hbm>>
      tpu.enqueue_indirect_dma source(%dma_start3A_116 : memref<20224x128xi32, #tpu.memory_space<hbm>>) target(%arg13 : memref<128x128xi32, #tpu.memory_space<vmem>>) offsets(%arg9 : memref<128xi32, #tpu.memory_space<vmem>>) semaphore(%arg19 : memref<!tpu.dma_semaphore, #tpu.memory_space<semaphore_mem>>)
      %dma_start3A_117 = arith.constant 0 : i32
      %dma_start3A_118 = arith.constant 0 : i32
      %dma_start3A_119 = tpu.memref_slice %arg3[%dma_start3A_117, %dma_start3A_118] : memref<20224x128xi32, #tpu.memory_space<hbm>> -> memref<20224x128xi32, #tpu.memory_space<hbm>>
      tpu.enqueue_indirect_dma source(%dma_start3A_119 : memref<20224x128xi32, #tpu.memory_space<hbm>>) target(%arg15 : memref<128x128xi32, #tpu.memory_space<vmem>>) offsets(%arg11 : memref<128xi32, #tpu.memory_space<vmem>>) semaphore(%arg19 : memref<!tpu.dma_semaphore, #tpu.memory_space<semaphore_mem>>)
      %dma_wait3A_120 = arith.constant 0 : i32
      %dma_wait3A_121 = arith.constant 0 : i32
      %dma_wait3A_122 = tpu.memref_slice %arg2[%dma_wait3A_120, %dma_wait3A_121] : memref<20224x128xi32, #tpu.memory_space<hbm>> -> memref<20224x128xi32, #tpu.memory_space<hbm>>
      tpu.wait_indirect_dma semaphore(%arg18 : memref<!tpu.dma_semaphore, #tpu.memory_space<semaphore_mem>>) src(%dma_wait3A_122 : memref<20224x128xi32, #tpu.memory_space<hbm>>) dst(%arg12 : memref<128x128xi32, #tpu.memory_space<vmem>>)
      %dma_wait3A_123 = arith.constant 0 : i32
      %dma_wait3A_124 = arith.constant 0 : i32
      %dma_wait3A_125 = tpu.memref_slice %arg3[%dma_wait3A_123, %dma_wait3A_124] : memref<20224x128xi32, #tpu.memory_space<hbm>> -> memref<20224x128xi32, #tpu.memory_space<hbm>>
      tpu.wait_indirect_dma semaphore(%arg18 : memref<!tpu.dma_semaphore, #tpu.memory_space<semaphore_mem>>) src(%dma_wait3A_125 : memref<20224x128xi32, #tpu.memory_space<hbm>>) dst(%arg14 : memref<128x128xi32, #tpu.memory_space<vmem>>)
      %add3A_126 = arith.addi %mul3A_2, %add3A_100 : i32
      %sub3A_127 = arith.constant 1 : i32
      %sub3A_128 = arith.subi %add3A_126, %sub3A_127 : i32
      %mul3A_129 = arith.constant 128 : i32
      %mul3A_130 = arith.muli %sub3A_128, %mul3A_129 : i32
      %dma_start3A_131 = arith.constant 0 : i32
      %dma_start3A_132 = tpu.memref_slice %arg6[%mul3A_130, %dma_start3A_131] : memref<163840x128xi32, #tpu.memory_space<hbm>> -> memref<128x128xi32, #tpu.memory_space<hbm>>
      %dma_start3A_133 = arith.constant 0 : i32
      %dma_start3A_134 = tpu.memref_slice %arg6[%mul3A_130, %dma_start3A_133] : memref<163840x128xi32, #tpu.memory_space<hbm>> -> memref<128x128xi32, #tpu.memory_space<hbm>>
      tpu.enqueue_dma source(%arg12 : memref<128x128xi32, #tpu.memory_space<vmem>>) target(%dma_start3A_134 : memref<128x128xi32, #tpu.memory_space<hbm>>) target_semaphore(%arg20 : memref<!tpu.dma_semaphore, #tpu.memory_space<semaphore_mem>>)
      %dma_start3A_135 = arith.constant 0 : i32
      %dma_start3A_136 = tpu.memref_slice %arg7[%mul3A_130, %dma_start3A_135] : memref<163840x128xi32, #tpu.memory_space<hbm>> -> memref<128x128xi32, #tpu.memory_space<hbm>>
      %dma_start3A_137 = arith.constant 0 : i32
      %dma_start3A_138 = tpu.memref_slice %arg7[%mul3A_130, %dma_start3A_137] : memref<163840x128xi32, #tpu.memory_space<hbm>> -> memref<128x128xi32, #tpu.memory_space<hbm>>
      tpu.enqueue_dma source(%arg14 : memref<128x128xi32, #tpu.memory_space<vmem>>) target(%dma_start3A_138 : memref<128x128xi32, #tpu.memory_space<hbm>>) target_semaphore(%arg20 : memref<!tpu.dma_semaphore, #tpu.memory_space<semaphore_mem>>)
      %lt3A = arith.constant 19 : i32
      %lt3A_139 = arith.cmpi slt, %scan3A_71, %lt3A : i32
      %convert_element_type3A_140 = arith.extui %lt3A_139 : i1 to i32
      %cond3A_141 = arith.constant 0 : i32
      %cond3A_142 = arith.cmpi ne, %convert_element_type3A_140, %cond3A_141 : i32
      scf.if %cond3A_142 {
        %add3A_143 = arith.constant 1 : i32
        %add3A_144 = arith.addi %add3A_100, %add3A_143 : i32
        %mul3A_145 = arith.constant 163840 : i32
        %mul3A_146 = arith.muli %arg0, %mul3A_145 : i32
        %add3A_147 = arith.addi %mul3A_2, %add3A_144 : i32
        %mul3A_148 = arith.constant 128 : i32
        %mul3A_149 = arith.muli %add3A_147, %mul3A_148 : i32
        %add3A_150 = arith.addi %mul3A_146, %mul3A_149 : i32
        %dma_start3A_151 = tpu.memref_slice %arg4[%add3A_150] : memref<327680xi32, #tpu.memory_space<hbm>> -> memref<128xi32, #tpu.memory_space<hbm>>
        %dma_start3A_152 = tpu.memref_slice %arg4[%add3A_150] : memref<327680xi32, #tpu.memory_space<hbm>> -> memref<128xi32, #tpu.memory_space<hbm>>
        tpu.enqueue_dma source(%dma_start3A_152 : memref<128xi32, #tpu.memory_space<hbm>>) target(%arg8 : memref<128xi32, #tpu.memory_space<vmem>>) target_semaphore(%arg16 : memref<!tpu.dma_semaphore, #tpu.memory_space<semaphore_mem>>)
        %dma_start3A_153 = tpu.memref_slice %arg5[%add3A_150] : memref<327680xi32, #tpu.memory_space<hbm>> -> memref<128xi32, #tpu.memory_space<hbm>>
        %dma_start3A_154 = tpu.memref_slice %arg5[%add3A_150] : memref<327680xi32, #tpu.memory_space<hbm>> -> memref<128xi32, #tpu.memory_space<hbm>>
        tpu.enqueue_dma source(%dma_start3A_154 : memref<128xi32, #tpu.memory_space<hbm>>) target(%arg10 : memref<128xi32, #tpu.memory_space<vmem>>) target_semaphore(%arg16 : memref<!tpu.dma_semaphore, #tpu.memory_space<semaphore_mem>>)
      } else {
      }
    }
    %scan3A_28 = arith.constant 20 : i32
    %dma_wait3A = arith.constant 0 : i32
    %dma_wait3A_29 = arith.constant 0 : i32
    %dma_wait3A_30 = tpu.memref_slice %arg2[%dma_wait3A, %dma_wait3A_29] : memref<20224x128xi32, #tpu.memory_space<hbm>> -> memref<20224x128xi32, #tpu.memory_space<hbm>>
    tpu.wait_indirect_dma semaphore(%arg19 : memref<!tpu.dma_semaphore, #tpu.memory_space<semaphore_mem>>) src(%dma_wait3A_30 : memref<20224x128xi32, #tpu.memory_space<hbm>>) dst(%arg13 : memref<128x128xi32, #tpu.memory_space<vmem>>)
    %dma_wait3A_31 = arith.constant 0 : i32
    %dma_wait3A_32 = arith.constant 0 : i32
    %dma_wait3A_33 = tpu.memref_slice %arg3[%dma_wait3A_31, %dma_wait3A_32] : memref<20224x128xi32, #tpu.memory_space<hbm>> -> memref<20224x128xi32, #tpu.memory_space<hbm>>
    tpu.wait_indirect_dma semaphore(%arg19 : memref<!tpu.dma_semaphore, #tpu.memory_space<semaphore_mem>>) src(%dma_wait3A_33 : memref<20224x128xi32, #tpu.memory_space<hbm>>) dst(%arg15 : memref<128x128xi32, #tpu.memory_space<vmem>>)
    %add3A_34 = arith.constant 40 : i32
    %add3A_35 = arith.addi %mul3A_2, %add3A_34 : i32
    %sub3A = arith.constant 1 : i32
    %sub3A_36 = arith.subi %add3A_35, %sub3A : i32
    %mul3A_37 = arith.constant 128 : i32
    %mul3A_38 = arith.muli %sub3A_36, %mul3A_37 : i32
    %dma_start3A_39 = arith.constant 0 : i32
    %dma_start3A_40 = tpu.memref_slice %arg6[%mul3A_38, %dma_start3A_39] : memref<163840x128xi32, #tpu.memory_space<hbm>> -> memref<128x128xi32, #tpu.memory_space<hbm>>
    %dma_start3A_41 = arith.constant 0 : i32
    %dma_start3A_42 = tpu.memref_slice %arg6[%mul3A_38, %dma_start3A_41] : memref<163840x128xi32, #tpu.memory_space<hbm>> -> memref<128x128xi32, #tpu.memory_space<hbm>>
    tpu.enqueue_dma source(%arg13 : memref<128x128xi32, #tpu.memory_space<vmem>>) target(%dma_start3A_42 : memref<128x128xi32, #tpu.memory_space<hbm>>) target_semaphore(%arg21 : memref<!tpu.dma_semaphore, #tpu.memory_space<semaphore_mem>>)
    %dma_start3A_43 = arith.constant 0 : i32
    %dma_start3A_44 = tpu.memref_slice %arg7[%mul3A_38, %dma_start3A_43] : memref<163840x128xi32, #tpu.memory_space<hbm>> -> memref<128x128xi32, #tpu.memory_space<hbm>>
    %dma_start3A_45 = arith.constant 0 : i32
    %dma_start3A_46 = tpu.memref_slice %arg7[%mul3A_38, %dma_start3A_45] : memref<163840x128xi32, #tpu.memory_space<hbm>> -> memref<128x128xi32, #tpu.memory_space<hbm>>
    tpu.enqueue_dma source(%arg15 : memref<128x128xi32, #tpu.memory_space<vmem>>) target(%dma_start3A_46 : memref<128x128xi32, #tpu.memory_space<hbm>>) target_semaphore(%arg21 : memref<!tpu.dma_semaphore, #tpu.memory_space<semaphore_mem>>)
    %dma_wait3A_47 = arith.constant 0 : i32
    %dma_wait3A_48 = arith.constant 0 : i32
    %dma_wait3A_49 = tpu.memref_slice %arg6[%dma_wait3A_47, %dma_wait3A_48] : memref<163840x128xi32, #tpu.memory_space<hbm>> -> memref<128x128xi32, #tpu.memory_space<hbm>>
    %dma_wait3A_50 = arith.constant 0 : i32
    %dma_wait3A_51 = arith.constant 0 : i32
    %dma_wait3A_52 = tpu.memref_slice %arg6[%dma_wait3A_50, %dma_wait3A_51] : memref<163840x128xi32, #tpu.memory_space<hbm>> -> memref<128x128xi32, #tpu.memory_space<hbm>>
    tpu.wait_dma2 semaphore(%arg20 : memref<!tpu.dma_semaphore, #tpu.memory_space<semaphore_mem>>) src(%arg12 : memref<128x128xi32, #tpu.memory_space<vmem>>) dst(%dma_wait3A_52 : memref<128x128xi32, #tpu.memory_space<hbm>>)
    %dma_wait3A_53 = arith.constant 0 : i32
    %dma_wait3A_54 = arith.constant 0 : i32
    %dma_wait3A_55 = tpu.memref_slice %arg7[%dma_wait3A_53, %dma_wait3A_54] : memref<163840x128xi32, #tpu.memory_space<hbm>> -> memref<128x128xi32, #tpu.memory_space<hbm>>
    %dma_wait3A_56 = arith.constant 0 : i32
    %dma_wait3A_57 = arith.constant 0 : i32
    %dma_wait3A_58 = tpu.memref_slice %arg7[%dma_wait3A_56, %dma_wait3A_57] : memref<163840x128xi32, #tpu.memory_space<hbm>> -> memref<128x128xi32, #tpu.memory_space<hbm>>
    tpu.wait_dma2 semaphore(%arg20 : memref<!tpu.dma_semaphore, #tpu.memory_space<semaphore_mem>>) src(%arg14 : memref<128x128xi32, #tpu.memory_space<vmem>>) dst(%dma_wait3A_58 : memref<128x128xi32, #tpu.memory_space<hbm>>)
    %dma_wait3A_59 = arith.constant 0 : i32
    %dma_wait3A_60 = arith.constant 0 : i32
    %dma_wait3A_61 = tpu.memref_slice %arg6[%dma_wait3A_59, %dma_wait3A_60] : memref<163840x128xi32, #tpu.memory_space<hbm>> -> memref<128x128xi32, #tpu.memory_space<hbm>>
    %dma_wait3A_62 = arith.constant 0 : i32
    %dma_wait3A_63 = arith.constant 0 : i32
    %dma_wait3A_64 = tpu.memref_slice %arg6[%dma_wait3A_62, %dma_wait3A_63] : memref<163840x128xi32, #tpu.memory_space<hbm>> -> memref<128x128xi32, #tpu.memory_space<hbm>>
    tpu.wait_dma2 semaphore(%arg21 : memref<!tpu.dma_semaphore, #tpu.memory_space<semaphore_mem>>) src(%arg13 : memref<128x128xi32, #tpu.memory_space<vmem>>) dst(%dma_wait3A_64 : memref<128x128xi32, #tpu.memory_space<hbm>>)
    %dma_wait3A_65 = arith.constant 0 : i32
    %dma_wait3A_66 = arith.constant 0 : i32
    %dma_wait3A_67 = tpu.memref_slice %arg7[%dma_wait3A_65, %dma_wait3A_66] : memref<163840x128xi32, #tpu.memory_space<hbm>> -> memref<128x128xi32, #tpu.memory_space<hbm>>
    %dma_wait3A_68 = arith.constant 0 : i32
    %dma_wait3A_69 = arith.constant 0 : i32
    %dma_wait3A_70 = tpu.memref_slice %arg7[%dma_wait3A_68, %dma_wait3A_69] : memref<163840x128xi32, #tpu.memory_space<hbm>> -> memref<128x128xi32, #tpu.memory_space<hbm>>
    tpu.wait_dma2 semaphore(%arg21 : memref<!tpu.dma_semaphore, #tpu.memory_space<semaphore_mem>>) src(%arg15 : memref<128x128xi32, #tpu.memory_space<vmem>>) dst(%dma_wait3A_70 : memref<128x128xi32, #tpu.memory_space<hbm>>)
    return
  }
}

module attributes {stable_mosaic.version = 14 : i64} {
  func.func @_proj_body(%arg0: i32, %arg1: memref<400x256xf32, #tpu.memory_space<vmem>>, %arg2: memref<400x256xf32, #tpu.memory_space<vmem>>, %arg3: memref<256x256xf32, #tpu.memory_space<vmem>>, %arg4: memref<256x256xf32, #tpu.memory_space<vmem>>, %arg5: memref<2x400x128xi32, #tpu.memory_space<vmem>>, %arg6: memref<2x400x128xi32, #tpu.memory_space<vmem>>, %arg7: memref<2x400x128xf32, #tpu.memory_space<vmem>>) attributes {dimension_semantics = [#tpu.dimension_semantics<arbitrary>], iteration_bounds = array<i64: 25>, scalar_prefetch = 0 : i64, scratch_operands = 0 : i64, tpu.core_type = #tpu.core_type<tc>, window_params = [{transform_indices = @transform_0, window_bounds = array<i64: 400, 256>}, {transform_indices = @transform_1, window_bounds = array<i64: 400, 256>}, {pipeline_mode = #tpu.pipeline_mode<synchronous>, transform_indices = @transform_2, window_bounds = array<i64: 256, 256>}, {pipeline_mode = #tpu.pipeline_mode<synchronous>, transform_indices = @transform_3, window_bounds = array<i64: 256, 256>}, {transform_indices = @transform_4, window_bounds = array<i64: 2, 400, 128>}, {transform_indices = @transform_5, window_bounds = array<i64: 2, 400, 128>}, {transform_indices = @transform_6, window_bounds = array<i64: 2, 400, 128>}]} {
    %get3A = arith.constant 0 : index
    %get3A_0 = arith.constant 0 : index
    %get3A_1 = vector.load %arg1[%get3A, %get3A_0] : memref<400x256xf32, #tpu.memory_space<vmem>>, vector<400x256xf32>
    %convert_element_type3A = arith.truncf %get3A_1 : vector<400x256xf32> to vector<400x256xbf16>
    %get3A_2 = arith.constant 0 : index
    %get3A_3 = arith.constant 0 : index
    %get3A_4 = vector.load %arg3[%get3A_2, %get3A_3] : memref<256x256xf32, #tpu.memory_space<vmem>>, vector<256x256xf32>
    %convert_element_type3A_5 = arith.truncf %get3A_4 : vector<256x256xf32> to vector<256x256xbf16>
    %dot_general3A = arith.constant dense<0.000000e+00> : vector<400x256xf32>
    %dot_general3A_6 = tpu.matmul %convert_element_type3A, %convert_element_type3A_5, %dot_general3A {dimension_numbers = #tpu.dot_dimension_numbers<[1], [0], [0], [1], [0, 0, 1, 1], [], []>, transpose_lhs_hint = false} : vector<400x256xbf16>, vector<256x256xbf16>, vector<400x256xf32> -> vector<400x256xf32>
    %slice3A = vector.extract_strided_slice %dot_general3A_6 {offsets = [0, 0], sizes = [400, 128], strides = [1, 1]} : vector<400x256xf32> to vector<400x128xf32>
    %convert_element_type3A_7 = arith.truncf %slice3A : vector<400x128xf32> to vector<400x128xbf16>
    %slice3A_8 = vector.extract_strided_slice %dot_general3A_6 {offsets = [0, 128], sizes = [400, 128], strides = [1, 1]} : vector<400x256xf32> to vector<400x128xf32>
    %convert_element_type3A_9 = arith.truncf %slice3A_8 : vector<400x128xf32> to vector<400x128xbf16>
    %bitcast_convert_type3A = tpu.bitcast %convert_element_type3A_7 : vector<400x128xbf16> -> vector<400x128xi16>
    %convert_element_type3A_10 = arith.extsi %bitcast_convert_type3A : vector<400x128xi16> to vector<400x128xi32>
    %bitcast_convert_type3A_11 = tpu.bitcast %convert_element_type3A_9 : vector<400x128xbf16> -> vector<400x128xi16>
    %convert_element_type3A_12 = arith.extsi %bitcast_convert_type3A_11 : vector<400x128xi16> to vector<400x128xi32>
    %and3A = arith.constant 65535 : i32
    %and3A_13 = vector.broadcast %and3A : i32 to vector<400x128xi32>
    %and3A_14 = arith.andi %convert_element_type3A_10, %and3A_13 : vector<400x128xi32>
    %shift_left3A = arith.constant 16 : i32
    %shift_left3A_15 = vector.broadcast %shift_left3A : i32 to vector<400x128xi32>
    %shift_left3A_16 = arith.shli %convert_element_type3A_12, %shift_left3A_15 : vector<400x128xi32>
    %or3A = arith.ori %and3A_14, %shift_left3A_16 : vector<400x128xi32>
    %get3A_17 = arith.constant 0 : index
    %get3A_18 = arith.constant 0 : index
    %get3A_19 = vector.load %arg2[%get3A_17, %get3A_18] : memref<400x256xf32, #tpu.memory_space<vmem>>, vector<400x256xf32>
    %convert_element_type3A_20 = arith.truncf %get3A_19 : vector<400x256xf32> to vector<400x256xbf16>
    %get3A_21 = arith.constant 0 : index
    %get3A_22 = arith.constant 0 : index
    %get3A_23 = vector.load %arg4[%get3A_21, %get3A_22] : memref<256x256xf32, #tpu.memory_space<vmem>>, vector<256x256xf32>
    %convert_element_type3A_24 = arith.truncf %get3A_23 : vector<256x256xf32> to vector<256x256xbf16>
    %dot_general3A_25 = arith.constant dense<0.000000e+00> : vector<400x256xf32>
    %dot_general3A_26 = tpu.matmul %convert_element_type3A_20, %convert_element_type3A_24, %dot_general3A_25 {dimension_numbers = #tpu.dot_dimension_numbers<[1], [0], [0], [1], [0, 0, 1, 1], [], []>, transpose_lhs_hint = false} : vector<400x256xbf16>, vector<256x256xbf16>, vector<400x256xf32> -> vector<400x256xf32>
    %slice3A_27 = vector.extract_strided_slice %dot_general3A_26 {offsets = [0, 0], sizes = [400, 128], strides = [1, 1]} : vector<400x256xf32> to vector<400x128xf32>
    %convert_element_type3A_28 = arith.truncf %slice3A_27 : vector<400x128xf32> to vector<400x128xbf16>
    %slice3A_29 = vector.extract_strided_slice %dot_general3A_26 {offsets = [0, 128], sizes = [400, 128], strides = [1, 1]} : vector<400x256xf32> to vector<400x128xf32>
    %convert_element_type3A_30 = arith.truncf %slice3A_29 : vector<400x128xf32> to vector<400x128xbf16>
    %bitcast_convert_type3A_31 = tpu.bitcast %convert_element_type3A_28 : vector<400x128xbf16> -> vector<400x128xi16>
    %convert_element_type3A_32 = arith.extsi %bitcast_convert_type3A_31 : vector<400x128xi16> to vector<400x128xi32>
    %bitcast_convert_type3A_33 = tpu.bitcast %convert_element_type3A_30 : vector<400x128xbf16> -> vector<400x128xi16>
    %convert_element_type3A_34 = arith.extsi %bitcast_convert_type3A_33 : vector<400x128xi16> to vector<400x128xi32>
    %and3A_35 = arith.constant 65535 : i32
    %and3A_36 = vector.broadcast %and3A_35 : i32 to vector<400x128xi32>
    %and3A_37 = arith.andi %convert_element_type3A_32, %and3A_36 : vector<400x128xi32>
    %shift_left3A_38 = arith.constant 16 : i32
    %shift_left3A_39 = vector.broadcast %shift_left3A_38 : i32 to vector<400x128xi32>
    %shift_left3A_40 = arith.shli %convert_element_type3A_34, %shift_left3A_39 : vector<400x128xi32>
    %or3A_41 = arith.ori %and3A_37, %shift_left3A_40 : vector<400x128xi32>
    %swap3A = arith.constant 0 : index
    %swap3A_42 = arith.constant 0 : index
    %swap3A_43 = arith.constant 0 : index
    %swap3A_44 = vector.load %arg5[%swap3A, %swap3A_42, %swap3A_43] : memref<2x400x128xi32, #tpu.memory_space<vmem>>, vector<1x400x128xi32>
    %swap3A_45 = vector.shape_cast %swap3A_44 : vector<1x400x128xi32> to vector<400x128xi32>
    %swap3A_46 = vector.shape_cast %or3A : vector<400x128xi32> to vector<1x400x128xi32>
    tpu.vector_store %arg5[%swap3A, %swap3A_42, %swap3A_43], %swap3A_46 {strides = array<i32>} : memref<2x400x128xi32, #tpu.memory_space<vmem>>, vector<1x400x128xi32>,
    %swap3A_47 = arith.constant 1 : index
    %swap3A_48 = arith.constant 0 : index
    %swap3A_49 = arith.constant 0 : index
    %swap3A_50 = vector.load %arg5[%swap3A_47, %swap3A_48, %swap3A_49] : memref<2x400x128xi32, #tpu.memory_space<vmem>>, vector<1x400x128xi32>
    %swap3A_51 = vector.shape_cast %swap3A_50 : vector<1x400x128xi32> to vector<400x128xi32>
    %swap3A_52 = vector.shape_cast %or3A : vector<400x128xi32> to vector<1x400x128xi32>
    tpu.vector_store %arg5[%swap3A_47, %swap3A_48, %swap3A_49], %swap3A_52 {strides = array<i32>} : memref<2x400x128xi32, #tpu.memory_space<vmem>>, vector<1x400x128xi32>,
    %swap3A_53 = arith.constant 0 : index
    %swap3A_54 = arith.constant 0 : index
    %swap3A_55 = arith.constant 0 : index
    %swap3A_56 = vector.load %arg6[%swap3A_53, %swap3A_54, %swap3A_55] : memref<2x400x128xi32, #tpu.memory_space<vmem>>, vector<1x400x128xi32>
    %swap3A_57 = vector.shape_cast %swap3A_56 : vector<1x400x128xi32> to vector<400x128xi32>
    %swap3A_58 = vector.shape_cast %or3A_41 : vector<400x128xi32> to vector<1x400x128xi32>
    tpu.vector_store %arg6[%swap3A_53, %swap3A_54, %swap3A_55], %swap3A_58 {strides = array<i32>} : memref<2x400x128xi32, #tpu.memory_space<vmem>>, vector<1x400x128xi32>,
    %swap3A_59 = arith.constant 1 : index
    %swap3A_60 = arith.constant 0 : index
    %swap3A_61 = arith.constant 0 : index
    %swap3A_62 = vector.load %arg6[%swap3A_59, %swap3A_60, %swap3A_61] : memref<2x400x128xi32, #tpu.memory_space<vmem>>, vector<1x400x128xi32>
    %swap3A_63 = vector.shape_cast %swap3A_62 : vector<1x400x128xi32> to vector<400x128xi32>
    %swap3A_64 = vector.shape_cast %or3A_41 : vector<400x128xi32> to vector<1x400x128xi32>
    tpu.vector_store %arg6[%swap3A_59, %swap3A_60, %swap3A_61], %swap3A_64 {strides = array<i32>} : memref<2x400x128xi32, #tpu.memory_space<vmem>>, vector<1x400x128xi32>,
    %slice3A_65 = vector.extract_strided_slice %get3A_1 {offsets = [0, 0], sizes = [400, 128], strides = [1, 1]} : vector<400x256xf32> to vector<400x128xf32>
    %swap3A_66 = arith.constant 0 : index
    %swap3A_67 = arith.constant 0 : index
    %swap3A_68 = arith.constant 0 : index
    %swap3A_69 = vector.load %arg7[%swap3A_66, %swap3A_67, %swap3A_68] : memref<2x400x128xf32, #tpu.memory_space<vmem>>, vector<1x400x128xf32>
    %swap3A_70 = vector.shape_cast %swap3A_69 : vector<1x400x128xf32> to vector<400x128xf32>
    %swap3A_71 = vector.shape_cast %slice3A_65 : vector<400x128xf32> to vector<1x400x128xf32>
    tpu.vector_store %arg7[%swap3A_66, %swap3A_67, %swap3A_68], %swap3A_71 {strides = array<i32>} : memref<2x400x128xf32, #tpu.memory_space<vmem>>, vector<1x400x128xf32>,
    %slice3A_72 = vector.extract_strided_slice %get3A_1 {offsets = [0, 128], sizes = [400, 128], strides = [1, 1]} : vector<400x256xf32> to vector<400x128xf32>
    %swap3A_73 = arith.constant 1 : index
    %swap3A_74 = arith.constant 0 : index
    %swap3A_75 = arith.constant 0 : index
    %swap3A_76 = vector.load %arg7[%swap3A_73, %swap3A_74, %swap3A_75] : memref<2x400x128xf32, #tpu.memory_space<vmem>>, vector<1x400x128xf32>
    %swap3A_77 = vector.shape_cast %swap3A_76 : vector<1x400x128xf32> to vector<400x128xf32>
    %swap3A_78 = vector.shape_cast %slice3A_72 : vector<400x128xf32> to vector<1x400x128xf32>
    tpu.vector_store %arg7[%swap3A_73, %swap3A_74, %swap3A_75], %swap3A_78 {strides = array<i32>} : memref<2x400x128xf32, #tpu.memory_space<vmem>>, vector<1x400x128xf32>,
    return
  }
  func.func @transform_0(%arg0: i32) -> (i32, i32) {
    %c0_i32 = arith.constant 0 : i32
    %c0_i32_0 = arith.constant 0 : i32
    return %arg0, %c0_i32 : i32, i32
  }
  func.func @transform_1(%arg0: i32) -> (i32, i32) {
    %c0_i32 = arith.constant 0 : i32
    %c0_i32_0 = arith.constant 0 : i32
    return %arg0, %c0_i32 : i32, i32
  }
  func.func @transform_2(%arg0: i32) -> (i32, i32) {
    %c0_i32 = arith.constant 0 : i32
    %c0_i32_0 = arith.constant 0 : i32
    %c0_i32_1 = arith.constant 0 : i32
    return %c0_i32, %c0_i32_0 : i32, i32
  }
  func.func @transform_3(%arg0: i32) -> (i32, i32) {
    %c0_i32 = arith.constant 0 : i32
    %c0_i32_0 = arith.constant 0 : i32
    %c0_i32_1 = arith.constant 0 : i32
    return %c0_i32, %c0_i32_0 : i32, i32
  }
  func.func @transform_4(%arg0: i32) -> (i32, i32, i32) {
    %c0_i32 = arith.constant 0 : i32
    %c0_i32_0 = arith.constant 0 : i32
    %c0_i32_1 = arith.constant 0 : i32
    return %c0_i32, %arg0, %c0_i32_0 : i32, i32, i32
  }
  func.func @transform_5(%arg0: i32) -> (i32, i32, i32) {
    %c0_i32 = arith.constant 0 : i32
    %c0_i32_0 = arith.constant 0 : i32
    %c0_i32_1 = arith.constant 0 : i32
    return %c0_i32, %arg0, %c0_i32_0 : i32, i32, i32
  }
  func.func @transform_6(%arg0: i32) -> (i32, i32, i32) {
    %c0_i32 = arith.constant 0 : i32
    %c0_i32_0 = arith.constant 0 : i32
    %c0_i32_1 = arith.constant 0 : i32
    return %c0_i32, %arg0, %c0_i32_0 : i32, i32, i32
  }
}

module attributes {stable_mosaic.version = 14 : i64} {
  func.func @_edge_body(%arg0: i32, %arg1: memref<1600x256xf32, #tpu.memory_space<vmem>>, %arg2: memref<1600x128xi32, #tpu.memory_space<vmem>>, %arg3: memref<1600x128xi32, #tpu.memory_space<vmem>>, %arg4: memref<256x256xf32, #tpu.memory_space<vmem>>, %arg5: memref<256x256xf32, #tpu.memory_space<vmem>>, %arg6: memref<1x256xf32, #tpu.memory_space<vmem>>, %arg7: memref<1x256xf32, #tpu.memory_space<vmem>>, %arg8: memref<1x256xf32, #tpu.memory_space<vmem>>, %arg9: memref<1x256xf32, #tpu.memory_space<vmem>>, %arg10: memref<2x1600x128xf32, #tpu.memory_space<vmem>>) attributes {dimension_semantics = [#tpu.dimension_semantics<arbitrary>], iteration_bounds = array<i64: 100>, scalar_prefetch = 0 : i64, scratch_operands = 0 : i64, tpu.core_type = #tpu.core_type<tc>, window_params = [{transform_indices = @transform_0, window_bounds = array<i64: 1600, 256>}, {transform_indices = @transform_1, window_bounds = array<i64: 1600, 128>}, {transform_indices = @transform_2, window_bounds = array<i64: 1600, 128>}, {pipeline_mode = #tpu.pipeline_mode<synchronous>, transform_indices = @transform_3, window_bounds = array<i64: 256, 256>}, {pipeline_mode = #tpu.pipeline_mode<synchronous>, transform_indices = @transform_4, window_bounds = array<i64: 256, 256>}, {pipeline_mode = #tpu.pipeline_mode<synchronous>, transform_indices = @transform_5, window_bounds = array<i64: 1, 256>}, {pipeline_mode = #tpu.pipeline_mode<synchronous>, transform_indices = @transform_6, window_bounds = array<i64: 1, 256>}, {pipeline_mode = #tpu.pipeline_mode<synchronous>, transform_indices = @transform_7, window_bounds = array<i64: 1, 256>}, {pipeline_mode = #tpu.pipeline_mode<synchronous>, transform_indices = @transform_8, window_bounds = array<i64: 1, 256>}, {transform_indices = @transform_9, window_bounds = array<i64: 2, 1600, 128>}]} {
    %get3A = arith.constant 0 : index
    %get3A_0 = arith.constant 0 : index
    %get3A_1 = vector.load %arg1[%get3A, %get3A_0] : memref<1600x256xf32, #tpu.memory_space<vmem>>, vector<1600x256xf32>
    %get3A_2 = arith.constant 0 : index
    %get3A_3 = arith.constant 0 : index
    %get3A_4 = vector.load %arg2[%get3A_2, %get3A_3] : memref<1600x128xi32, #tpu.memory_space<vmem>>, vector<1600x128xi32>
    %shift_left3A = arith.constant 16 : i32
    %shift_left3A_5 = vector.broadcast %shift_left3A : i32 to vector<1600x128xi32>
    %shift_left3A_6 = arith.shli %get3A_4, %shift_left3A_5 : vector<1600x128xi32>
    %bitcast_convert_type3A = tpu.bitcast %shift_left3A_6 : vector<1600x128xi32> -> vector<1600x128xf32>
    %shift_right_arithmetic3A = arith.constant 16 : i32
    %shift_right_arithmetic3A_7 = vector.broadcast %shift_right_arithmetic3A : i32 to vector<1600x128xi32>
    %shift_right_arithmetic3A_8 = arith.shrsi %get3A_4, %shift_right_arithmetic3A_7 : vector<1600x128xi32>
    %shift_left3A_9 = arith.constant 16 : i32
    %shift_left3A_10 = vector.broadcast %shift_left3A_9 : i32 to vector<1600x128xi32>
    %shift_left3A_11 = arith.shli %shift_right_arithmetic3A_8, %shift_left3A_10 : vector<1600x128xi32>
    %bitcast_convert_type3A_12 = tpu.bitcast %shift_left3A_11 : vector<1600x128xi32> -> vector<1600x128xf32>
    %get3A_13 = arith.constant 0 : index
    %get3A_14 = arith.constant 0 : index
    %get3A_15 = vector.load %arg3[%get3A_13, %get3A_14] : memref<1600x128xi32, #tpu.memory_space<vmem>>, vector<1600x128xi32>
    %shift_left3A_16 = arith.constant 16 : i32
    %shift_left3A_17 = vector.broadcast %shift_left3A_16 : i32 to vector<1600x128xi32>
    %shift_left3A_18 = arith.shli %get3A_15, %shift_left3A_17 : vector<1600x128xi32>
    %bitcast_convert_type3A_19 = tpu.bitcast %shift_left3A_18 : vector<1600x128xi32> -> vector<1600x128xf32>
    %shift_right_arithmetic3A_20 = arith.constant 16 : i32
    %shift_right_arithmetic3A_21 = vector.broadcast %shift_right_arithmetic3A_20 : i32 to vector<1600x128xi32>
    %shift_right_arithmetic3A_22 = arith.shrsi %get3A_15, %shift_right_arithmetic3A_21 : vector<1600x128xi32>
    %shift_left3A_23 = arith.constant 16 : i32
    %shift_left3A_24 = vector.broadcast %shift_left3A_23 : i32 to vector<1600x128xi32>
    %shift_left3A_25 = arith.shli %shift_right_arithmetic3A_22, %shift_left3A_24 : vector<1600x128xi32>
    %bitcast_convert_type3A_26 = tpu.bitcast %shift_left3A_25 : vector<1600x128xi32> -> vector<1600x128xf32>
    %add3A = arith.addf %bitcast_convert_type3A, %bitcast_convert_type3A_19 : vector<1600x128xf32>
    %add3A_27 = arith.addf %bitcast_convert_type3A_12, %bitcast_convert_type3A_26 : vector<1600x128xf32>
    %concatenate3A = tpu.concatenate %add3A, %add3A_27 in 1 : vector<1600x128xf32>, vector<1600x128xf32> -> vector<1600x256xf32>
    %convert_element_type3A = arith.truncf %get3A_1 : vector<1600x256xf32> to vector<1600x256xbf16>
    %get3A_28 = arith.constant 0 : index
    %get3A_29 = arith.constant 0 : index
    %get3A_30 = vector.load %arg4[%get3A_28, %get3A_29] : memref<256x256xf32, #tpu.memory_space<vmem>>, vector<256x256xf32>
    %convert_element_type3A_31 = arith.truncf %get3A_30 : vector<256x256xf32> to vector<256x256xbf16>
    %dot_general3A = arith.constant dense<0.000000e+00> : vector<1600x256xf32>
    %dot_general3A_32 = tpu.matmul %convert_element_type3A, %convert_element_type3A_31, %dot_general3A {dimension_numbers = #tpu.dot_dimension_numbers<[1], [0], [0], [1], [0, 0, 1, 1], [], []>, transpose_lhs_hint = false} : vector<1600x256xbf16>, vector<256x256xbf16>, vector<1600x256xf32> -> vector<1600x256xf32>
    %add3A_33 = arith.addf %dot_general3A_32, %concatenate3A : vector<1600x256xf32>
    %get3A_34 = arith.constant 0 : index
    %get3A_35 = arith.constant 0 : index
    %get3A_36 = vector.load %arg6[%get3A_34, %get3A_35] : memref<1x256xf32, #tpu.memory_space<vmem>>, vector<1x256xf32>
    %add3A_37 = vector.broadcast %get3A_36 : vector<1x256xf32> to vector<1600x256xf32>
    %add3A_38 = arith.addf %add3A_33, %add3A_37 : vector<1600x256xf32>
    %logistic3A = arith.negf %add3A_38 : vector<1600x256xf32>
    %logistic3A_39 = math.exp %logistic3A : vector<1600x256xf32>
    %logistic3A_40 = arith.constant 1.000000e+00 : f32
    %logistic3A_41 = vector.broadcast %logistic3A_40 : f32 to vector<1600x256xf32>
    %logistic3A_42 = arith.addf %logistic3A_41, %logistic3A_39 : vector<1600x256xf32>
    %logistic3A_43 = arith.divf %logistic3A_41, %logistic3A_42 : vector<1600x256xf32>
    %mul3A = arith.mulf %add3A_38, %logistic3A_43 : vector<1600x256xf32>
    %convert_element_type3A_44 = arith.truncf %mul3A : vector<1600x256xf32> to vector<1600x256xbf16>
    %get3A_45 = arith.constant 0 : index
    %get3A_46 = arith.constant 0 : index
    %get3A_47 = vector.load %arg5[%get3A_45, %get3A_46] : memref<256x256xf32, #tpu.memory_space<vmem>>, vector<256x256xf32>
    %convert_element_type3A_48 = arith.truncf %get3A_47 : vector<256x256xf32> to vector<256x256xbf16>
    %dot_general3A_49 = arith.constant dense<0.000000e+00> : vector<1600x256xf32>
    %dot_general3A_50 = tpu.matmul %convert_element_type3A_44, %convert_element_type3A_48, %dot_general3A_49 {dimension_numbers = #tpu.dot_dimension_numbers<[1], [0], [0], [1], [0, 0, 1, 1], [], []>, transpose_lhs_hint = false} : vector<1600x256xbf16>, vector<256x256xbf16>, vector<1600x256xf32> -> vector<1600x256xf32>
    %get3A_51 = arith.constant 0 : index
    %get3A_52 = arith.constant 0 : index
    %get3A_53 = vector.load %arg7[%get3A_51, %get3A_52] : memref<1x256xf32, #tpu.memory_space<vmem>>, vector<1x256xf32>
    %add3A_54 = vector.broadcast %get3A_53 : vector<1x256xf32> to vector<1600x256xf32>
    %add3A_55 = arith.addf %dot_general3A_50, %add3A_54 : vector<1600x256xf32>
    %reduce_sum3A = arith.constant dense<0.000000e+00> : vector<1600xf32>
    %reduce_sum3A_56 = vector.multi_reduction <add>, %add3A_55, %reduce_sum3A [1] : vector<1600x256xf32> to vector<1600xf32>
    %broadcast_in_dim3A = vector.shape_cast %reduce_sum3A_56 : vector<1600xf32> to vector<1600x1xf32>
    %div3A = arith.constant 2.560000e+02 : f32
    %div3A_57 = vector.broadcast %div3A : f32 to vector<1600x1xf32>
    %div3A_58 = arith.divf %broadcast_in_dim3A, %div3A_57 : vector<1600x1xf32>
    %sub3A = vector.broadcast %div3A_58 : vector<1600x1xf32> to vector<1600x256xf32>
    %sub3A_59 = arith.subf %add3A_55, %sub3A : vector<1600x256xf32>
    %integer_pow3A = arith.mulf %sub3A_59, %sub3A_59 : vector<1600x256xf32>
    %reduce_sum3A_60 = arith.constant dense<0.000000e+00> : vector<1600xf32>
    %reduce_sum3A_61 = vector.multi_reduction <add>, %integer_pow3A, %reduce_sum3A_60 [1] : vector<1600x256xf32> to vector<1600xf32>
    %broadcast_in_dim3A_62 = vector.shape_cast %reduce_sum3A_61 : vector<1600xf32> to vector<1600x1xf32>
    %div3A_63 = arith.constant 2.560000e+02 : f32
    %div3A_64 = vector.broadcast %div3A_63 : f32 to vector<1600x1xf32>
    %div3A_65 = arith.divf %broadcast_in_dim3A_62, %div3A_64 : vector<1600x1xf32>
    %sub3A_66 = vector.broadcast %div3A_58 : vector<1600x1xf32> to vector<1600x256xf32>
    %sub3A_67 = arith.subf %add3A_55, %sub3A_66 : vector<1600x256xf32>
    %add3A_68 = arith.constant 9.99999974E-6 : f32
    %add3A_69 = vector.broadcast %add3A_68 : f32 to vector<1600x1xf32>
    %add3A_70 = arith.addf %div3A_65, %add3A_69 : vector<1600x1xf32>
    %sqrt3A = math.sqrt %add3A_70 : vector<1600x1xf32>
    %div3A_71 = vector.broadcast %sqrt3A : vector<1600x1xf32> to vector<1600x256xf32>
    %div3A_72 = arith.divf %sub3A_67, %div3A_71 : vector<1600x256xf32>
    %get3A_73 = arith.constant 0 : index
    %get3A_74 = arith.constant 0 : index
    %get3A_75 = vector.load %arg8[%get3A_73, %get3A_74] : memref<1x256xf32, #tpu.memory_space<vmem>>, vector<1x256xf32>
    %mul3A_76 = vector.broadcast %get3A_75 : vector<1x256xf32> to vector<1600x256xf32>
    %mul3A_77 = arith.mulf %div3A_72, %mul3A_76 : vector<1600x256xf32>
    %get3A_78 = arith.constant 0 : index
    %get3A_79 = arith.constant 0 : index
    %get3A_80 = vector.load %arg9[%get3A_78, %get3A_79] : memref<1x256xf32, #tpu.memory_space<vmem>>, vector<1x256xf32>
    %add3A_81 = vector.broadcast %get3A_80 : vector<1x256xf32> to vector<1600x256xf32>
    %add3A_82 = arith.addf %mul3A_77, %add3A_81 : vector<1600x256xf32>
    %add3A_83 = arith.addf %add3A_82, %get3A_1 : vector<1600x256xf32>
    %slice3A = vector.extract_strided_slice %add3A_83 {offsets = [0, 0], sizes = [1600, 128], strides = [1, 1]} : vector<1600x256xf32> to vector<1600x128xf32>
    %swap3A = arith.constant 0 : index
    %swap3A_84 = arith.constant 0 : index
    %swap3A_85 = arith.constant 0 : index
    %swap3A_86 = vector.load %arg10[%swap3A, %swap3A_84, %swap3A_85] : memref<2x1600x128xf32, #tpu.memory_space<vmem>>, vector<1x1600x128xf32>
    %swap3A_87 = vector.shape_cast %swap3A_86 : vector<1x1600x128xf32> to vector<1600x128xf32>
    %swap3A_88 = vector.shape_cast %slice3A : vector<1600x128xf32> to vector<1x1600x128xf32>
    tpu.vector_store %arg10[%swap3A, %swap3A_84, %swap3A_85], %swap3A_88 {strides = array<i32>} : memref<2x1600x128xf32, #tpu.memory_space<vmem>>, vector<1x1600x128xf32>,
    %slice3A_89 = vector.extract_strided_slice %add3A_83 {offsets = [0, 128], sizes = [1600, 128], strides = [1, 1]} : vector<1600x256xf32> to vector<1600x128xf32>
    %swap3A_90 = arith.constant 1 : index
    %swap3A_91 = arith.constant 0 : index
    %swap3A_92 = arith.constant 0 : index
    %swap3A_93 = vector.load %arg10[%swap3A_90, %swap3A_91, %swap3A_92] : memref<2x1600x128xf32, #tpu.memory_space<vmem>>, vector<1x1600x128xf32>
    %swap3A_94 = vector.shape_cast %swap3A_93 : vector<1x1600x128xf32> to vector<1600x128xf32>
    %swap3A_95 = vector.shape_cast %slice3A_89 : vector<1600x128xf32> to vector<1x1600x128xf32>
    tpu.vector_store %arg10[%swap3A_90, %swap3A_91, %swap3A_92], %swap3A_95 {strides = array<i32>} : memref<2x1600x128xf32, #tpu.memory_space<vmem>>, vector<1x1600x128xf32>,
    return
  }
  func.func @transform_0(%arg0: i32) -> (i32, i32) {
    %c0_i32 = arith.constant 0 : i32
    %c0_i32_0 = arith.constant 0 : i32
    return %arg0, %c0_i32 : i32, i32
  }
  func.func @transform_1(%arg0: i32) -> (i32, i32) {
    %c0_i32 = arith.constant 0 : i32
    %c0_i32_0 = arith.constant 0 : i32
    return %arg0, %c0_i32 : i32, i32
  }
  func.func @transform_2(%arg0: i32) -> (i32, i32) {
    %c0_i32 = arith.constant 0 : i32
    %c0_i32_0 = arith.constant 0 : i32
    return %arg0, %c0_i32 : i32, i32
  }
  func.func @transform_3(%arg0: i32) -> (i32, i32) {
    %c0_i32 = arith.constant 0 : i32
    %c0_i32_0 = arith.constant 0 : i32
    %c0_i32_1 = arith.constant 0 : i32
    return %c0_i32, %c0_i32_0 : i32, i32
  }
  func.func @transform_4(%arg0: i32) -> (i32, i32) {
    %c0_i32 = arith.constant 0 : i32
    %c0_i32_0 = arith.constant 0 : i32
    %c0_i32_1 = arith.constant 0 : i32
    return %c0_i32, %c0_i32_0 : i32, i32
  }
  func.func @transform_5(%arg0: i32) -> (i32, i32) {
    %c0_i32 = arith.constant 0 : i32
    %c0_i32_0 = arith.constant 0 : i32
    %c0_i32_1 = arith.constant 0 : i32
    return %c0_i32, %c0_i32_0 : i32, i32
  }
  func.func @transform_6(%arg0: i32) -> (i32, i32) {
    %c0_i32 = arith.constant 0 : i32
    %c0_i32_0 = arith.constant 0 : i32
    %c0_i32_1 = arith.constant 0 : i32
    return %c0_i32, %c0_i32_0 : i32, i32
  }
  func.func @transform_7(%arg0: i32) -> (i32, i32) {
    %c0_i32 = arith.constant 0 : i32
    %c0_i32_0 = arith.constant 0 : i32
    %c0_i32_1 = arith.constant 0 : i32
    return %c0_i32, %c0_i32_0 : i32, i32
  }
  func.func @transform_8(%arg0: i32) -> (i32, i32) {
    %c0_i32 = arith.constant 0 : i32
    %c0_i32_0 = arith.constant 0 : i32
    %c0_i32_1 = arith.constant 0 : i32
    return %c0_i32, %c0_i32_0 : i32, i32
  }
  func.func @transform_9(%arg0: i32) -> (i32, i32, i32) {
    %c0_i32 = arith.constant 0 : i32
    %c0_i32_0 = arith.constant 0 : i32
    %c0_i32_1 = arith.constant 0 : i32
    return %c0_i32, %arg0, %c0_i32_0 : i32, i32, i32
  }
}

module attributes {stable_mosaic.version = 14 : i64} {
  func.func @_node_body(%arg0: i32, %arg1: memref<2x400x128xf32, #tpu.memory_space<vmem>>, %arg2: memref<2x400x128xf32, #tpu.memory_space<vmem>>, %arg3: memref<400x256xf32, #tpu.memory_space<vmem>>, %arg4: memref<256x256xf32, #tpu.memory_space<vmem>>, %arg5: memref<256x256xf32, #tpu.memory_space<vmem>>, %arg6: memref<256x256xf32, #tpu.memory_space<vmem>>, %arg7: memref<1x256xf32, #tpu.memory_space<vmem>>, %arg8: memref<1x256xf32, #tpu.memory_space<vmem>>, %arg9: memref<1x256xf32, #tpu.memory_space<vmem>>, %arg10: memref<1x256xf32, #tpu.memory_space<vmem>>, %arg11: memref<400x256xf32, #tpu.memory_space<vmem>>) attributes {dimension_semantics = [#tpu.dimension_semantics<arbitrary>], iteration_bounds = array<i64: 25>, scalar_prefetch = 0 : i64, scratch_operands = 0 : i64, tpu.core_type = #tpu.core_type<tc>, window_params = [{transform_indices = @transform_0, window_bounds = array<i64: 2, 400, 128>}, {transform_indices = @transform_1, window_bounds = array<i64: 2, 400, 128>}, {transform_indices = @transform_2, window_bounds = array<i64: 400, 256>}, {pipeline_mode = #tpu.pipeline_mode<synchronous>, transform_indices = @transform_3, window_bounds = array<i64: 256, 256>}, {pipeline_mode = #tpu.pipeline_mode<synchronous>, transform_indices = @transform_4, window_bounds = array<i64: 256, 256>}, {pipeline_mode = #tpu.pipeline_mode<synchronous>, transform_indices = @transform_5, window_bounds = array<i64: 256, 256>}, {pipeline_mode = #tpu.pipeline_mode<synchronous>, transform_indices = @transform_6, window_bounds = array<i64: 1, 256>}, {pipeline_mode = #tpu.pipeline_mode<synchronous>, transform_indices = @transform_7, window_bounds = array<i64: 1, 256>}, {pipeline_mode = #tpu.pipeline_mode<synchronous>, transform_indices = @transform_8, window_bounds = array<i64: 1, 256>}, {pipeline_mode = #tpu.pipeline_mode<synchronous>, transform_indices = @transform_9, window_bounds = array<i64: 1, 256>}, {transform_indices = @transform_10, window_bounds = array<i64: 400, 256>}]} {
    %get3A = arith.constant 0 : index
    %get3A_0 = arith.constant 0 : index
    %get3A_1 = arith.constant 0 : index
    %get3A_2 = vector.load %arg1[%get3A, %get3A_0, %get3A_1] : memref<2x400x128xf32, #tpu.memory_space<vmem>>, vector<1x400x128xf32>
    %get3A_3 = vector.shape_cast %get3A_2 : vector<1x400x128xf32> to vector<400x128xf32>
    %get3A_4 = arith.constant 1 : index
    %get3A_5 = arith.constant 0 : index
    %get3A_6 = arith.constant 0 : index
    %get3A_7 = vector.load %arg1[%get3A_4, %get3A_5, %get3A_6] : memref<2x400x128xf32, #tpu.memory_space<vmem>>, vector<1x400x128xf32>
    %get3A_8 = vector.shape_cast %get3A_7 : vector<1x400x128xf32> to vector<400x128xf32>
    %concatenate3A = tpu.concatenate %get3A_3, %get3A_8 in 1 : vector<400x128xf32>, vector<400x128xf32> -> vector<400x256xf32>
    %get3A_9 = arith.constant 0 : index
    %get3A_10 = arith.constant 0 : index
    %get3A_11 = arith.constant 0 : index
    %get3A_12 = vector.load %arg2[%get3A_9, %get3A_10, %get3A_11] : memref<2x400x128xf32, #tpu.memory_space<vmem>>, vector<1x400x128xf32>
    %get3A_13 = vector.shape_cast %get3A_12 : vector<1x400x128xf32> to vector<400x128xf32>
    %get3A_14 = arith.constant 1 : index
    %get3A_15 = arith.constant 0 : index
    %get3A_16 = arith.constant 0 : index
    %get3A_17 = vector.load %arg2[%get3A_14, %get3A_15, %get3A_16] : memref<2x400x128xf32, #tpu.memory_space<vmem>>, vector<1x400x128xf32>
    %get3A_18 = vector.shape_cast %get3A_17 : vector<1x400x128xf32> to vector<400x128xf32>
    %concatenate3A_19 = tpu.concatenate %get3A_13, %get3A_18 in 1 : vector<400x128xf32>, vector<400x128xf32> -> vector<400x256xf32>
    %get3A_20 = arith.constant 0 : index
    %get3A_21 = arith.constant 0 : index
    %get3A_22 = vector.load %arg4[%get3A_20, %get3A_21] : memref<256x256xf32, #tpu.memory_space<vmem>>, vector<256x256xf32>
    %dot_general3A = arith.constant dense<0.000000e+00> : vector<400x256xf32>
    %dot_general3A_23 = tpu.matmul %concatenate3A, %get3A_22, %dot_general3A {dimension_numbers = #tpu.dot_dimension_numbers<[1], [0], [0], [1], [0, 0, 1, 1], [], []>, transpose_lhs_hint = false} : vector<400x256xf32>, vector<256x256xf32>, vector<400x256xf32> -> vector<400x256xf32>
    %get3A_24 = arith.constant 0 : index
    %get3A_25 = arith.constant 0 : index
    %get3A_26 = vector.load %arg5[%get3A_24, %get3A_25] : memref<256x256xf32, #tpu.memory_space<vmem>>, vector<256x256xf32>
    %dot_general3A_27 = arith.constant dense<0.000000e+00> : vector<400x256xf32>
    %dot_general3A_28 = tpu.matmul %concatenate3A_19, %get3A_26, %dot_general3A_27 {dimension_numbers = #tpu.dot_dimension_numbers<[1], [0], [0], [1], [0, 0, 1, 1], [], []>, transpose_lhs_hint = false} : vector<400x256xf32>, vector<256x256xf32>, vector<400x256xf32> -> vector<400x256xf32>
    %add3A = arith.addf %dot_general3A_23, %dot_general3A_28 : vector<400x256xf32>
    %get3A_29 = arith.constant 0 : index
    %get3A_30 = arith.constant 0 : index
    %get3A_31 = vector.load %arg7[%get3A_29, %get3A_30] : memref<1x256xf32, #tpu.memory_space<vmem>>, vector<1x256xf32>
    %add3A_32 = vector.broadcast %get3A_31 : vector<1x256xf32> to vector<400x256xf32>
    %add3A_33 = arith.addf %add3A, %add3A_32 : vector<400x256xf32>
    %logistic3A = arith.negf %add3A_33 : vector<400x256xf32>
    %logistic3A_34 = math.exp %logistic3A : vector<400x256xf32>
    %logistic3A_35 = arith.constant 1.000000e+00 : f32
    %logistic3A_36 = vector.broadcast %logistic3A_35 : f32 to vector<400x256xf32>
    %logistic3A_37 = arith.addf %logistic3A_36, %logistic3A_34 : vector<400x256xf32>
    %logistic3A_38 = arith.divf %logistic3A_36, %logistic3A_37 : vector<400x256xf32>
    %mul3A = arith.mulf %add3A_33, %logistic3A_38 : vector<400x256xf32>
    %get3A_39 = arith.constant 0 : index
    %get3A_40 = arith.constant 0 : index
    %get3A_41 = vector.load %arg6[%get3A_39, %get3A_40] : memref<256x256xf32, #tpu.memory_space<vmem>>, vector<256x256xf32>
    %dot_general3A_42 = arith.constant dense<0.000000e+00> : vector<400x256xf32>
    %dot_general3A_43 = tpu.matmul %mul3A, %get3A_41, %dot_general3A_42 {dimension_numbers = #tpu.dot_dimension_numbers<[1], [0], [0], [1], [0, 0, 1, 1], [], []>, transpose_lhs_hint = false} : vector<400x256xf32>, vector<256x256xf32>, vector<400x256xf32> -> vector<400x256xf32>
    %get3A_44 = arith.constant 0 : index
    %get3A_45 = arith.constant 0 : index
    %get3A_46 = vector.load %arg8[%get3A_44, %get3A_45] : memref<1x256xf32, #tpu.memory_space<vmem>>, vector<1x256xf32>
    %add3A_47 = vector.broadcast %get3A_46 : vector<1x256xf32> to vector<400x256xf32>
    %add3A_48 = arith.addf %dot_general3A_43, %add3A_47 : vector<400x256xf32>
    %reduce_sum3A = arith.constant dense<0.000000e+00> : vector<400xf32>
    %reduce_sum3A_49 = vector.multi_reduction <add>, %add3A_48, %reduce_sum3A [1] : vector<400x256xf32> to vector<400xf32>
    %broadcast_in_dim3A = vector.shape_cast %reduce_sum3A_49 : vector<400xf32> to vector<400x1xf32>
    %div3A = arith.constant 2.560000e+02 : f32
    %div3A_50 = vector.broadcast %div3A : f32 to vector<400x1xf32>
    %div3A_51 = arith.divf %broadcast_in_dim3A, %div3A_50 : vector<400x1xf32>
    %sub3A = vector.broadcast %div3A_51 : vector<400x1xf32> to vector<400x256xf32>
    %sub3A_52 = arith.subf %add3A_48, %sub3A : vector<400x256xf32>
    %integer_pow3A = arith.mulf %sub3A_52, %sub3A_52 : vector<400x256xf32>
    %reduce_sum3A_53 = arith.constant dense<0.000000e+00> : vector<400xf32>
    %reduce_sum3A_54 = vector.multi_reduction <add>, %integer_pow3A, %reduce_sum3A_53 [1] : vector<400x256xf32> to vector<400xf32>
    %broadcast_in_dim3A_55 = vector.shape_cast %reduce_sum3A_54 : vector<400xf32> to vector<400x1xf32>
    %div3A_56 = arith.constant 2.560000e+02 : f32
    %div3A_57 = vector.broadcast %div3A_56 : f32 to vector<400x1xf32>
    %div3A_58 = arith.divf %broadcast_in_dim3A_55, %div3A_57 : vector<400x1xf32>
    %sub3A_59 = vector.broadcast %div3A_51 : vector<400x1xf32> to vector<400x256xf32>
    %sub3A_60 = arith.subf %add3A_48, %sub3A_59 : vector<400x256xf32>
    %add3A_61 = arith.constant 9.99999974E-6 : f32
    %add3A_62 = vector.broadcast %add3A_61 : f32 to vector<400x1xf32>
    %add3A_63 = arith.addf %div3A_58, %add3A_62 : vector<400x1xf32>
    %sqrt3A = math.sqrt %add3A_63 : vector<400x1xf32>
    %div3A_64 = vector.broadcast %sqrt3A : vector<400x1xf32> to vector<400x256xf32>
    %div3A_65 = arith.divf %sub3A_60, %div3A_64 : vector<400x256xf32>
    %get3A_66 = arith.constant 0 : index
    %get3A_67 = arith.constant 0 : index
    %get3A_68 = vector.load %arg9[%get3A_66, %get3A_67] : memref<1x256xf32, #tpu.memory_space<vmem>>, vector<1x256xf32>
    %mul3A_69 = vector.broadcast %get3A_68 : vector<1x256xf32> to vector<400x256xf32>
    %mul3A_70 = arith.mulf %div3A_65, %mul3A_69 : vector<400x256xf32>
    %get3A_71 = arith.constant 0 : index
    %get3A_72 = arith.constant 0 : index
    %get3A_73 = vector.load %arg10[%get3A_71, %get3A_72] : memref<1x256xf32, #tpu.memory_space<vmem>>, vector<1x256xf32>
    %add3A_74 = vector.broadcast %get3A_73 : vector<1x256xf32> to vector<400x256xf32>
    %add3A_75 = arith.addf %mul3A_70, %add3A_74 : vector<400x256xf32>
    %get3A_76 = arith.constant 0 : index
    %get3A_77 = arith.constant 0 : index
    %get3A_78 = vector.load %arg3[%get3A_76, %get3A_77] : memref<400x256xf32, #tpu.memory_space<vmem>>, vector<400x256xf32>
    %add3A_79 = arith.addf %add3A_75, %get3A_78 : vector<400x256xf32>
    %swap3A = arith.constant 0 : index
    %swap3A_80 = arith.constant 0 : index
    %swap3A_81 = vector.load %arg11[%swap3A, %swap3A_80] : memref<400x256xf32, #tpu.memory_space<vmem>>, vector<400x256xf32>
    tpu.vector_store %arg11[%swap3A, %swap3A_80], %add3A_79 {strides = array<i32>} : memref<400x256xf32, #tpu.memory_space<vmem>>, vector<400x256xf32>,
    return
  }
  func.func @transform_0(%arg0: i32) -> (i32, i32, i32) {
    %c0_i32 = arith.constant 0 : i32
    %c0_i32_0 = arith.constant 0 : i32
    %c0_i32_1 = arith.constant 0 : i32
    return %c0_i32, %arg0, %c0_i32_0 : i32, i32, i32
  }
  func.func @transform_1(%arg0: i32) -> (i32, i32, i32) {
    %c0_i32 = arith.constant 0 : i32
    %c0_i32_0 = arith.constant 0 : i32
    %c0_i32_1 = arith.constant 0 : i32
    return %c0_i32, %arg0, %c0_i32_0 : i32, i32, i32
  }
  func.func @transform_2(%arg0: i32) -> (i32, i32) {
    %c0_i32 = arith.constant 0 : i32
    %c0_i32_0 = arith.constant 0 : i32
    return %arg0, %c0_i32 : i32, i32
  }
  func.func @transform_3(%arg0: i32) -> (i32, i32) {
    %c0_i32 = arith.constant 0 : i32
    %c0_i32_0 = arith.constant 0 : i32
    %c0_i32_1 = arith.constant 0 : i32
    return %c0_i32, %c0_i32_0 : i32, i32
  }
  func.func @transform_4(%arg0: i32) -> (i32, i32) {
    %c0_i32 = arith.constant 0 : i32
    %c0_i32_0 = arith.constant 0 : i32
    %c0_i32_1 = arith.constant 0 : i32
    return %c0_i32, %c0_i32_0 : i32, i32
  }
  func.func @transform_5(%arg0: i32) -> (i32, i32) {
    %c0_i32 = arith.constant 0 : i32
    %c0_i32_0 = arith.constant 0 : i32
    %c0_i32_1 = arith.constant 0 : i32
    return %c0_i32, %c0_i32_0 : i32, i32
  }
  func.func @transform_6(%arg0: i32) -> (i32, i32) {
    %c0_i32 = arith.constant 0 : i32
    %c0_i32_0 = arith.constant 0 : i32
    %c0_i32_1 = arith.constant 0 : i32
    return %c0_i32, %c0_i32_0 : i32, i32
  }
  func.func @transform_7(%arg0: i32) -> (i32, i32) {
    %c0_i32 = arith.constant 0 : i32
    %c0_i32_0 = arith.constant 0 : i32
    %c0_i32_1 = arith.constant 0 : i32
    return %c0_i32, %c0_i32_0 : i32, i32
  }
  func.func @transform_8(%arg0: i32) -> (i32, i32) {
    %c0_i32 = arith.constant 0 : i32
    %c0_i32_0 = arith.constant 0 : i32
    %c0_i32_1 = arith.constant 0 : i32
    return %c0_i32, %c0_i32_0 : i32, i32
  }
  func.func @transform_9(%arg0: i32) -> (i32, i32) {
    %c0_i32 = arith.constant 0 : i32
    %c0_i32_0 = arith.constant 0 : i32
    %c0_i32_1 = arith.constant 0 : i32
    return %c0_i32, %c0_i32_0 : i32, i32
  }
  func.func @transform_10(%arg0: i32) -> (i32, i32) {
    %c0_i32 = arith.constant 0 : i32
    %c0_i32_0 = arith.constant 0 : i32
    return %arg0, %c0_i32 : i32, i32
  }
}

</mosaic_0001>

<sc_bundles>
// kernel: kernel.11.cloned.1.call-start
scs
__scs_entry_jumppad:
0x0: {  	(pc) =	sbr.rel $0x88, $3  }
0x1: {  	(tag) =	ssettag $0x0;
	lr =	simm.s32 $0x1  }
0x2: {  	[smem:$0x3F90] =	sst lr;
	_ =	strace $0xD0000000  }
0x3: {  	_ = 	snop  }
0x4: {  	_ = 	snop  }
0x5: {  	_ = 	snop  }
0x6: {  	_ = 	snop  }
0x7: {  	_ = 	snop  }
__scs_overlays_trampoline_lowered:
0x8: {  	[smem:$0x3F9F] =	sst s0  }
0x9: {  	[smem:$0x3FA0] =	sst s1  }
0xa: {  	[smem:$0x3FA1] =	sst s2  }
0xb: {  	[smem:$0x3FA2] =	sst s3  }
0xc: {  	[smem:$0x3FA3] =	sst s4  }
0xd: {  	[smem:$0x3FA4] =	sst s5  }
0xe: {  	[smem:$0x3FA5] =	sst s6  }
0xf: {  	[smem:$0x3FA6] =	sst s7  }
0x10: {  	[smem:$0x3FA7] =	sst s8  }
0x11: {  	[smem:$0x3FA8] =	sst s9;
	s0 =	simm.s32 @!p0 $0x0  }
0x12: {  	s1 =	sld [smem:$0x3F8E];
	s0 =	simm.s32 @p0 $0x1  }
0x13: {  	[smem:$0x3FA9] =	sst s0;
	s0 =	simm.s32 @!p1 $0x0  }
0x14: {  	s2 =	sld [smem:$0x3F8D];
	s0 =	simm.s32 @p1 $0x1  }
0x15: {  	[smem:$0x3FAA] =	sst s0;
	s0 =	simm.s32 @!p2 $0x0  }
0x16: {  	s3 =	sld [smem:$0x3FDB];
	s0 =	simm.s32 @p2 $0x1  }
0x17: {  	s4 =	simm.s32 $0x1BF5;
	[smem:$0x3FAC] =	sst s0  }
0x18: {  	s0 =	sld [smem:$0x3F8F];
	_ =	swait.ge [sflag:s4], $0x0  }
0x19: {  	s7 =	sld [smem:$0x3F90]  }
0x1a: {  	s8 =	sadd.s32 $0xFFFFE003, lr  }
0x1b: {  	s9 =	sadd.s32 $0xFFFFFEF7, lr;
	s5 =	simm.s32 $0xFFFFFFFF;
	p2 =	slt.u32 s8, $0xFFFFF086  }
0x1c: {  	p1 =	slt.u32 s9, $0xF7A;
	s5 =	simm.s32 @!p2 $0x0  }
0x1d: {  	s5 =	simm.s32 @p1 $0x1;
	p0 =	seq.s32 s7, s2  }
0x1e: {  	s7 =	smul.u32 @!p0 $0xF7A, s2;
	p2 =	seq.s32 @!p0 s5, $0x0  }
0x1f: {  	s9 =	smul.u32 $0xF7A, s1;
	s8 =	simm.s32 @!p0 $0x1BF5;
	p2 =	por !p2, p0  }
0x20: {  	[sflag:s8] =	ssyncset.s32 @!p0 $0xFFFFF086;
	s6 =	sadd.s32 @!p0 s3, s7;
	s7 =	simm.s32 @!p0 $0x108  }
0x21: {  	s3 =	sadd.s32 s3, s9;
	s6 =	sadd.s32 @!p0 $0x88, s6;
	s7 =	simm.s32 @p2 $0x1082  }
0x22: {  	[simem:s7], [sflag:s8] =	dma.local @!p0 [hbm:s6], $0xF7A  }
0x23: {  	s9 =	sor.u32 $0xD0000000, s2;
	s6 =	simm.s32 $0x108;
	_ =	swait.ge @!p0 [sflag:s8], $0x0  }
0x24: {  	s3 =	sadd.s32 $0x88, s3;
	s6 =	simm.s32 @!p1 $0x1082;
	[sflag:s4] =	ssyncset.s32 $0xFFFFF086  }
0x25: {  	[simem:s6], [sflag:s4] =	dma.local [hbm:s3], $0xF7A  }
0x26: {  	[smem:$0x3F90] =	sst s1;
	(tag) =	ssettag s2;
	_ =	strace s9  }
0x27: {  	s1 =	sld [smem:$0x3FA0]  }
0x28: {  	s2 =	sld [smem:$0x3FA1]  }
0x29: {  	s4 =	sld [smem:$0x3FA3]  }
0x2a: {  	p0 =	seq.s32 s5, $0x0;
	s5 =	sld [smem:$0x3FA4]  }
0x2b: {  	s6 =	sld [smem:$0x3FA5]  }
0x2c: {  	s7 =	sld [smem:$0x3FA6]  }
0x2d: {  	s3 =	simm.s32 $0x108;
	s8 =	sld [smem:$0x3FA7]  }
0x2e: {  	s3 =	simm.s32 @!p0 $0x1082;
	s9 =	sld [smem:$0x3FA8]  }
0x2f: {  	lr =	sadd.s32 s0, s3;
	s0 =	sld [smem:$0x3F9F]  }
0x30: {  	s3 =	sld [smem:$0x3FA2]  }
0x31: {  	[smem:$0x3FAB] =	sst s10  }
0x32: {  	s10 =	sld [smem:$0x3FA9];
	_ =	sdelay $0x3  }
0x33: {  	p0 =	seq.s32 s10, $0x1;
	s10 =	sld [smem:$0x3FAB];
	_ =	sdelay $0x3  }
0x34: {  	[smem:$0x3FAB] =	sst s10  }
0x35: {  	s10 =	sld [smem:$0x3FAA];
	_ =	sdelay $0x3  }
0x36: {  	p1 =	seq.s32 s10, $0x1;
	s10 =	sld [smem:$0x3FAB];
	_ =	sdelay $0x3  }
0x37: {  	[smem:$0x3FAB] =	sst s10  }
0x38: {  	s10 =	sld [smem:$0x3FAC]  }
0x39: {  	_ = 	snop;
	(pc) =	sbr.ind lr, $3  }
0x3a: {  	_ = 	snop  }
0x3b: {  	_ = 	snop  }
0x3c: {  	p2 =	seq.s32 s10, $0x1;
	s10 =	sld [smem:$0x3FAB]  }
0x3d: {  	_ =	shalt  }
0x3e: {  	_ =	shalt  }
0x3f: {  	_ =	shalt  }
0x40: {  	_ =	shalt  }
0x41: {  	_ =	shalt  }
0x42: {  	_ =	shalt  }
0x43: {  	_ =	shalt  }
0x44: {  	_ =	shalt  }
0x45: {  	_ =	shalt  }
0x46: {  	_ =	shalt  }
0x47: {  	_ =	shalt  }
0x48: {  	_ =	shalt  }
0x49: {  	_ =	shalt  }
0x4a: {  	_ =	shalt  }
0x4b: {  	_ =	shalt  }
0x4c: {  	_ =	shalt  }
0x4d: {  	_ =	shalt  }
0x4e: {  	_ =	shalt  }
0x4f: {  	_ =	shalt  }
0x50: {  	_ =	shalt  }
0x51: {  	_ =	shalt  }
0x52: {  	_ =	shalt  }
0x53: {  	_ =	shalt  }
0x54: {  	_ =	shalt  }
0x55: {  	_ =	shalt  }
0x56: {  	_ =	shalt  }
0x57: {  	_ =	shalt  }
0x58: {  	_ =	shalt  }
0x59: {  	_ =	shalt  }
0x5a: {  	_ =	shalt  }
0x5b: {  	_ =	shalt  }
0x5c: {  	_ =	shalt  }
0x5d: {  	_ =	shalt  }
0x5e: {  	_ =	shalt  }
0x5f: {  	_ =	shalt  }
0x60: {  	_ =	shalt  }
0x61: {  	_ =	shalt  }
0x62: {  	_ =	shalt  }
0x63: {  	_ =	shalt  }
0x64: {  	_ =	shalt  }
0x65: {  	_ =	shalt  }
0x66: {  	_ =	shalt  }
0x67: {  	_ =	shalt  }
0x68: {  	_ =	shalt  }
0x69: {  	_ =	shalt  }
0x6a: {  	_ =	shalt  }
0x6b: {  	_ =	shalt  }
0x6c: {  	_ =	shalt  }
0x6d: {  	_ =	shalt  }
0x6e: {  	_ =	shalt  }
0x6f: {  	_ =	shalt  }
0x70: {  	_ =	shalt  }
0x71: {  	_ =	shalt  }
0x72: {  	_ =	shalt  }
0x73: {  	_ =	shalt  }
0x74: {  	_ =	shalt  }
0x75: {  	_ =	shalt  }
0x76: {  	_ =	shalt  }
0x77: {  	_ =	shalt  }
0x78: {  	_ =	shalt  }
0x79: {  	_ =	shalt  }
0x7a: {  	_ =	shalt  }
0x7b: {  	_ =	shalt  }
0x7c: {  	_ =	shalt  }
0x7d: {  	_ =	shalt  }
0x7e: {  	_ =	shalt  }
0x7f: {  	_ =	shalt  }
0x80: {  	_ =	shalt  }
0x81: {  	_ =	shalt  }
0x82: {  	_ =	shalt  }
0x83: {  	_ =	shalt  }
0x84: {  	_ =	shalt  }
0x85: {  	_ =	shalt  }
0x86: {  	_ =	shalt  }
0x87: {  	_ =	shalt  }
.Lfunc_end0:
.L_simem_size_0:
called_computation.1_lowered:
.L_overlay_start_0:
0x88: {  	s2 =	sld [smem:$0x3FD9]  }
0x89: {  	s3 =	sld [smem:$0x3FFE];
	_ =	sdelay $0x1  }
0x8a: {  	s1 =	srdreg.scid  }
0x8b: {  	s0 =	sand.u32 $0x1, s1  }
0x8c: {  	s17 =	sshll.u32 s0, $0xA;
	s2 =	sadd.s32 s3, s2  }
0x8d: {  	s2 =	sadd.s32 s2, s17  }
0x8e: {  	[smem:$0x3FB7] =	sst s2  }
0x8f: {  	_ = 	snop  }
0x90: {  	s2 =	sld [smem:$0x3FD0];
	(tm) =	ssettm $0x1  }
0x91: {  	s18 =	sld [smem:$0x3FFB];
	_ =	sdelay $0x3  }
0x92: {  	_ =	strace s18  }
0x93: {  	s3 =	sld [smem:$0x3FFC];
	_ =	sdelay $0x3  }
0x94: {  	_ =	strace s3  }
0x95: {  	s3 =	sld [smem:$0x3FFD];
	_ =	sdelay $0x3  }
0x96: {  	_ =	strace s3  }
0x97: {  	_ =	strace $0x8FFFFFFF  }
0x98: {  	s19 =	sld [smem:$0x3FDB];
	_ =	sdelay $0x1  }
0x99: {  	s4 =	simm.s32 $_scs_section_size  }
0x9a: {  	s5 =	simm.s32 $_size__tile_overlayer_lowered;
	s6 =	simm.s32 $_tile_overlayer_lowered  }
0x9b: {  	s22 =	simm.s32 $0x1BFF;
	s21 =	sshll.u32 s6, $0x1;
	s3 =	sadd.s32 s4, s19  }
0x9c: {  	s7 =	simm.s32 $0x0;
	s20 =	sshll.u32 s5, $0x1;
	s5 =	sadd.s32 s21, s3  }
0x9d: {  	[timem:s7], [sflag:s22] =	dma.local [hbm:s5], s20  }
0x9e: {  	_ =	swait.ge [sflag:s22], s20  }
0x9f: {  	s4 =	ssub.s32 $0x0, s20;
	[sflag:s22] =	ssyncset.done $0x0  }
0xa0: {  	[sflag:s22] =	ssyncadd.s32 s4;
	_ =	sdelay $0x1  }
0xa1: {  	s23 =	simm.s32 $0x1B8B  }
0xa2: {  	_ =	swait.ge [sflag:s23], $0x1  }
0xa3: {  	[sflag:s23] =	ssyncset.done $0x0  }
0xa4: {  	s25 =	simm.s32 $0x1B8E;
	s24 =	sld [smem:$0x3FFE];
	[sflag:s23] =	ssyncadd.s32 $0xFFFFFFFF  }
0xa5: {  	s26 =	simm.s32 $execute0_lowered;
	[smem:$0x3FD2] =	sst s25  }
0xa6: {  	s5 =	sshll.u32 s26, $0x1;
	_ =	strace $0x80000046;
	[dreg:$0x1] =	wrdreg $0xFFFFFFFF  }
0xa7: {  	s28 =	simm.s32 $_size_execute0_lowered;
	s3 =	sadd.s32 s3, s5;
	[dreg:$0x0] =	wrdreg $0x0  }
0xa8: {  	s5 =	sshll.u32 s28, $0x1;
	[dreg:$0x2] =	wrdreg s3  }
0xa9: {  	[dreg:$0x3] =	wrdreg s5  }
0xaa: {  	[dreg:$0x4] =	wrdreg $0xC0  }
0xab: {  	_ =	task [dreg:s7], $0x5FFFF  }
0xac: {  	[dreg:$0x1] =	wrdreg $0xFFFFFFFF  }
0xad: {  	[dreg:$0x0] =	wrdreg $0x60  }
0xae: {  	[dreg:$0x2] =	wrdreg s24  }
0xaf: {  	[dreg:$0x3] =	wrdreg s2  }
0xb0: {  	[dreg:$0x4] =	wrdreg $0xA  }
0xb1: {  	_ =	task.clear_ibuf [dreg:s7], $0x5FFFF;
	_ =	strace $0x90000046  }
0xb2: {  	s29 =	simm.s32 $0xA;
	_ =	strace $0x80000048  }
0xb3: {  	_ =	swait.ge [sflag:s29], $0x1  }
0xb4: {  	[sflag:s29] =	ssyncadd.s32 $0xFFFFFFFF  }
0xb5: {  	_ =	strace $0x90000048  }
0xb6: {  	_ =	sfence  }
0xb7: {  	s30 =	sld [smem:$0x0];
	_ =	sdelay $0x2  }
0xb8: {  	s31 =	sshll.u32 s1, $0xD;
	s1 =	sshrl.u32 s1, $0x2  }
0xb9: {  	s3 =	sand.u32 $0x4000, s31;
	s1 =	sadd.s32 s1, s30  }
0xba: {  	s0 =	sor.u32 s3, s0;
	s1 =	sshll.u32 s1, $0x11  }
0xbb: {  	s0 =	sor.u32 s1, s0  }
0xbc: {  	s0 =	sadd.s32 $0x8F2B, s0  }
0xbd: {  	[sflag:s0] =	ssyncadd.remote.s32 $0x1  }
0xbe: {  	_ =	sfence.sel $0xFFFF  }
0xbf: {  	[dreg:$0x0] =	wrdreg $0xFFFFFFFF;
	(pc) =	sbr.abs _section_cstart, $3  }
0xc0: {  	[dreg:$0x1] =	wrdreg $0xFFFFFFFF  }
0xc1: {  	_ =	task.clear_ibuf [dreg:s7], $0x2FFFF;
	_ =	strace $0x9FFFFFFF  }
0xc2: {  	(tm) =	ssettm $0x7FFFFFFF  }
0xc3: {  	_ =	shalt  }
tec
execute0_lowered:
.L_overlay_start_1:
0x0: {  	(tag) =	ssettag $0x1  }
0x1: {  	s0 =	rddreg [dreg:$0x0]  }
0x2: {  	s1 =	rddreg [dreg:$0x1];
	s2 =	simm.s32 $0x0;
	s3 =	srdreg.scid  }
0x3: {  	s14 =	stileid.u32;
	s28 =	simm.s32 $0xC200;
	s29 =	simm.s32 $0x3  }
0x4: {  	s30 =	simm.s32 $0x200;
	s31 =	simm.s32 $0x8200;
	s17 =	smul.u32 $0x2800, s14  }
0x5: {  	[smem:$0x7FF] =	sst s2;
	s7 =	sand.u32 $0x1, s3;
	s18 =	smul.u32 $0x140000, s14  }
0x6: {  	s4 =	sshll.u32 s14, $0x1;
	s3 =	sadd.s32 $0x3C00, s0;
	s9 =	smul.u32 $0x28000, s7  }
0x7: {  	s12 =	sadd.s32 $0xF0C00, s0;
	s6 =	sadd.s32 $0x37AC00, s0;
	s15 =	smul.u32 $0x29400, s7  }
0x8: {  	s8 =	sor.u32 s7, s4;
	s10 =	ssub.s32 $0x2, s7;
	s7 =	smul.u32 $0xA0000, s7  }
0x9: {  	s5 =	sadd.s32 $0xFAC00, s0;
	_ =	strace $0x80000047;
	s11 =	smul.u32 $0x1400, s8  }
0xa: {  	s4 =	sadd.s32 $0x52C00, s0;
	s13 =	sshrl.u32 s10, $0x1;
	s8 =	smul.u32 $0xA0000, s8  }
0xb: {  	s25 =	ssub.s32 s10, s13;
	s7 =	sadd.s32 s7, s18;
	s9 =	sadd.s32 s9, s11  }
0xc: {  	s8 =	sshrl.u32 s8, $0x3;
	s0 =	smax.u32 s25, $0x1;
	s22 =	sshrl.u32 s7, $0x3  }
0xd: {  	s26 =	sshrl.u32 s9, $0x3;
	[dreg:$0x9] =	wrdreg s0;
	s24 =	sadd.s32 s22, s6  }
0xe: {  	s9 =	sor.u32 $0x80, s9;
	s13 =	sadd.s32 s12, s26;
	[dreg:$0xa] =	wrdreg s24  }
0xf: {  	s8 =	sadd.s32 $0x13800, s8;
	s10 =	sadd.s32 s1, s26;
	[dreg:$0x3] =	wrdreg s13  }
0x10: {  	s9 =	sshrl.u32 s9, $0x3;
	s19 =	sadd.s32 s5, s8;
	[dreg:$0x4] =	wrdreg s10  }
0x11: {  	s8 =	sadd.s32 s6, s8;
	s26 =	sadd.s32 $0xFFFFC000, s7;
	[dreg:$0x7] =	wrdreg s19  }
0x12: {  	s24 =	simm.s32 $0x1;
	s7 =	simm.s32 $0x6;
	[dreg:$0x8] =	wrdreg s8  }
0x13: {  	s16 =	sadd.s32 s12, s9;
	s9 =	sadd.s32 s1, s9;
	[dreg:$0xc] =	wrdreg s26  }
0x14: {  	s10 =	sadd.s32 s17, s15;
	s8 =	sadd.s32 s22, s5;
	[dreg:$0x5] =	wrdreg s16  }
0x15: {  	s22 =	simm.s32 $0x80;
	s26 =	simm.s32 $0x4200;
	[dreg:$0x6] =	wrdreg s9  }
.Ltmp0:
0x16: {  	s20 =	sor.u32 $0x100, s10;
	s23 =	sor.u32 $0x80, s10;
	(pc) =	sbr.rel .LBB2_1-.Ltmp0, $4  }
0x17: {  	[dreg:$0xb] =	wrdreg s8;
	s8 =	simm.s32 $0x0;
	s21 =	sshrl.u32 s20, $0x3  }
0x18: {  	s25 =	sshrl.u32 s23, $0x3;
	s23 =	simm.s32 $0x180;
	s14 =	sadd.s32 s21, s1  }
0x19: {  	s15 =	sadd.s32 s21, s12;
	s18 =	sadd.s32 s25, s1;
	s19 =	sadd.s32 s25, s12  }
0x1a: {  	s21 =	simm.s32 $0x100;
	s25 =	simm.s32 $0x2;
	s1 =	simm.s32 $0x5  }
.LBB2_4:
0x1b: {  	s0 =	simm.s32 $0x4  }
0x1c: {  	_ =	swait.ge [sflag:s0], $0x4000  }
0x1d: {  	[sflag:s0] =	ssyncset.done $0x0  }
0x1e: {  	[sflag:s0] =	ssyncadd.s32 $0xFFFFC000  }
0x1f: {  	_ =	swait.ge [sflag:s0], $0x4000  }
0x20: {  	[sflag:s0] =	ssyncset.done $0x0  }
0x21: {  	s16 =	rddreg [dreg:$0x7];
	[sflag:s0] =	ssyncadd.s32 $0xFFFFC000  }
0x22: {  	[hbm4b:s16+s2] =	stream.linear.scatter [tilespmem:s26], [sflag:$0x6], $0x4000, $0x38;
	[tilespmem:$0x10200] =	vst v63  }
0x23: {  	s17 =	rddreg [dreg:$0x8]  }
0x24: {  	[hbm4b:s17+s2] =	stream.linear.scatter [tilespmem:s28], [sflag:$0x6], $0x4000, $0x38;
	[tilespmem:$0x10200] =	vst v63  }
0x25: {  	_ =	swait.ge [sflag:s1], $0x4000  }
0x26: {  	[sflag:s1] =	ssyncset.done $0x0  }
0x27: {  	[sflag:s1] =	ssyncadd.s32 $0xFFFFC000  }
0x28: {  	_ =	swait.ge [sflag:s1], $0x4000  }
0x29: {  	[sflag:s1] =	ssyncset.done $0x0  }
0x2a: {  	[sflag:s1] =	ssyncadd.s32 $0xFFFFC000  }
0x2b: {  	_ =	swait.ge [sflag:s7], $0x4000  }
0x2c: {  	[sflag:s7] =	ssyncset.done $0x0  }
0x2d: {  	[sflag:s7] =	ssyncadd.s32 $0xFFFFC000  }
0x2e: {  	_ =	swait.ge [sflag:s7], $0x4000  }
0x2f: {  	s8 =	sadd.s32 $0x1, s8;
	s20 =	rddreg [dreg:$0x9]  }
0x30: {  	p0 =	sne.s32 s8, s20  }
.Ltmp1:
0x31: {  	_ = 	snop;
	(pc) =	sbr.rel @!p0 .LBB2_5-.Ltmp1, $3  }
0x32: {  	_ =	sdelay $0x1  }
0x33: {  	[sflag:s7] =	ssyncset.done $0x0  }
0x34: {  	[sflag:s7] =	ssyncadd.s32 $0xFFFFC000  }
.LBB2_1:
0x35: {  	s0 =	rddreg [dreg:$0x3]  }
0x36: {  	s16 =	rddreg [dreg:$0x4]  }
0x37: {  	s17 =	rddreg [dreg:$0x5]  }
0x38: {  	[tilespmem:s2], [sflag:$0x1] =	stream.linear.gather [hbm4b:s0+s2], $0x80, $0x38;
	[tilespmem:$0x10200] =	vst v63  }
0x39: {  	s20 =	rddreg [dreg:$0x6]  }
0x3a: {  	[tilespmem:s21], [sflag:$0x1] =	stream.linear.gather [hbm4b:s16+s2], $0x80, $0x38;
	[tilespmem:$0x10200] =	vst v63  }
0x3b: {  	s16 =	rddreg [dreg:$0xa]  }
0x3c: {  	[tilespmem:s22], [sflag:$0x2] =	stream.linear.gather [hbm4b:s17+s2], $0x80, $0x38;
	[tilespmem:$0x10200] =	vst v63  }
0x3d: {  	s17 =	rddreg [dreg:$0xb]  }
0x3e: {  	[tilespmem:s23], [sflag:$0x2] =	stream.linear.gather [hbm4b:s20+s2], $0x80, $0x38;
	[tilespmem:$0x10200] =	vst v63  }
0x3f: {  	s12 =	simm.s32 $0x0;
	s20 =	rddreg [dreg:$0xc]  }
.LBB2_2:
0x40: {  	_ =	swait.ge [sflag:s24], $0x80  }
0x41: {  	[sflag:s24] =	ssyncset.done $0x0  }
0x42: {  	[sflag:s24] =	ssyncadd.s32 $0xFFFFFF80  }
0x43: {  	p0 =	seq.s32 s12, $0x0;
	_ =	swait.ge [sflag:s24], $0x80  }
0x44: {  	s13 =	simm.s32 @p0 $0x80;
	[sflag:s24] =	ssyncset.done $0x0  }
0x45: {  	s11 =	simm.s32 @p0 $0x0;
	s10 =	simm.s32 @p0 $0x200;
	[sflag:s24] =	ssyncadd.s32 $0xFFFFFF80  }
0x46: {  	[tilespmem:s10], [sflag:$0x3] =	stream.indirect.gather @p0 [hbm4b:s3+s13], $0x80, s11, s13, $0xb8;
	[tilespmem:$0x10200] =	vst v63  }
0x47: {  	s10 =	simm.s32 @p0 $0x100;
	s11 =	simm.s32 @p0 $0x8200  }
0x48: {  	[tilespmem:s11], [sflag:$0x3] =	stream.indirect.gather @p0 [hbm4b:s4+s13], $0x80, s10, s13, $0xb8;
	[tilespmem:$0x10200] =	vst v63  }
0x49: {  	s10 =	simm.s32 @!p0 $0x5  }
0x4a: {  	_ =	swait.ge @!p0 [sflag:s10], $0x4000  }
0x4b: {  	[sflag:s10] =	ssyncset.done @!p0 $0x0  }
0x4c: {  	[sflag:s10] =	ssyncadd.s32 @!p0 $0xFFFFC000  }
0x4d: {  	_ =	swait.ge @!p0 [sflag:s10], $0x4000  }
0x4e: {  	s11 =	simm.s32 @!p0 $0x0;
	[sflag:s10] =	ssyncset.done @!p0 $0x0  }
0x4f: {  	s13 =	simm.s32 @!p0 $0x200;
	[sflag:s10] =	ssyncadd.s32 @!p0 $0xFFFFC000;
	s10 =	simm.s32 @!p0 $0x80  }
0x50: {  	[tilespmem:s13], [sflag:$0x3] =	stream.indirect.gather @!p0 [hbm4b:s3+s10], $0x80, s11, s10, $0xb8;
	[tilespmem:$0x10200] =	vst v63  }
0x51: {  	s9 =	simm.s32 @!p0 $0x8200;
	s13 =	simm.s32 @!p0 $0x100  }
0x52: {  	[tilespmem:s9], [sflag:$0x3] =	stream.indirect.gather @!p0 [hbm4b:s4+s10], $0x80, s13, s10, $0xb8;
	[tilespmem:$0x10200] =	vst v63  }
0x53: {  	s9 =	simm.s32 @!p0 $0x4  }
0x54: {  	_ =	swait.ge @!p0 [sflag:s9], $0x4000  }
0x55: {  	[sflag:s9] =	ssyncset.done @!p0 $0x0  }
0x56: {  	[sflag:s9] =	ssyncadd.s32 @!p0 $0xFFFFC000  }
0x57: {  	_ =	swait.ge @!p0 [sflag:s9], $0x4000  }
0x58: {  	s13 =	sshrl.u32 @!p0 s20, $0x3;
	[sflag:s9] =	ssyncset.done @!p0 $0x0  }
0x59: {  	s0 =	simm.s32 @!p0 $0x4200;
	[sflag:s9] =	ssyncadd.s32 @!p0 $0xFFFFC000;
	s9 =	sadd.s32 @!p0 s5, s13  }
0x5a: {  	[hbm4b:s9+s11] =	stream.linear.scatter @!p0 [tilespmem:s0], [sflag:$0x6], $0x4000, $0x38;
	[tilespmem:$0x10200] =	vst v63  }
0x5b: {  	s0 =	sadd.s32 @!p0 s6, s13;
	s9 =	simm.s32 @!p0 $0xC200  }
0x5c: {  	[hbm4b:s0+s11] =	stream.linear.scatter @!p0 [tilespmem:s9], [sflag:$0x6], $0x4000, $0x38;
	[tilespmem:$0x10200] =	vst v63  }
0x5d: {  	s0 =	sadd.s32 @!p0 s12, s19  }
0x5e: {  	[tilespmem:s10], [sflag:$0x2] =	stream.linear.gather @!p0 [hbm4b:s0+s11], $0x80, $0x38;
	[tilespmem:$0x10200] =	vst v63  }
0x5f: {  	s9 =	simm.s32 @!p0 $0x180;
	s0 =	sadd.s32 @!p0 s12, s18  }
0x60: {  	[tilespmem:s9], [sflag:$0x2] =	stream.linear.gather @!p0 [hbm4b:s0+s11], $0x80, $0x38;
	[tilespmem:$0x10200] =	vst v63  }
0x61: {  	_ =	swait.ge [sflag:s25], $0x80  }
0x62: {  	[sflag:s25] =	ssyncset.done $0x0  }
0x63: {  	[sflag:s25] =	ssyncadd.s32 $0xFFFFFF80  }
0x64: {  	_ =	swait.ge [sflag:s25], $0x80  }
0x65: {  	[sflag:s25] =	ssyncset.done $0x0  }
0x66: {  	s0 =	simm.s32 @!p0 $0x6;
	[sflag:s25] =	ssyncadd.s32 $0xFFFFFF80  }
0x67: {  	_ =	swait.ge @!p0 [sflag:s0], $0x4000  }
0x68: {  	[sflag:s0] =	ssyncset.done @!p0 $0x0  }
0x69: {  	[sflag:s0] =	ssyncadd.s32 @!p0 $0xFFFFC000  }
0x6a: {  	_ =	swait.ge @!p0 [sflag:s0], $0x4000  }
0x6b: {  	[sflag:s0] =	ssyncset.done @!p0 $0x0  }
0x6c: {  	[sflag:s0] =	ssyncadd.s32 @!p0 $0xFFFFC000  }
0x6d: {  	[tilespmem:s26], [sflag:$0x4] =	stream.indirect.gather [hbm4b:s3+s22], $0x80, s22, s22, $0xb8;
	[tilespmem:$0x10200] =	vst v63  }
0x6e: {  	_ = 	snop  }
0x6f: {  	[tilespmem:s28], [sflag:$0x4] =	stream.indirect.gather [hbm4b:s4+s22], $0x80, s23, s22, $0xb8;
	[tilespmem:$0x10200] =	vst v63  }
0x70: {  	_ =	swait.ge [sflag:s29], $0x4000  }
0x71: {  	[sflag:s29] =	ssyncset.done $0x0  }
0x72: {  	[sflag:s29] =	ssyncadd.s32 $0xFFFFC000  }
0x73: {  	p0 =	seq.s32 s12, $0x260;
	_ =	swait.ge [sflag:s29], $0x4000  }
.Ltmp2:
0x74: {  	[sflag:s29] =	ssyncset.done $0x0;
	(pc) =	sbr.rel @p0 .LBB2_4-.Ltmp2, $4  }
0x75: {  	[sflag:s29] =	ssyncadd.s32 $0xFFFFC000  }
0x76: {  	[hbm4b:s17+s2] =	stream.linear.scatter [tilespmem:s30], [sflag:$0x5], $0x4000, $0x38;
	[tilespmem:$0x10200] =	vst v63  }
0x77: {  	_ = 	snop  }
0x78: {  	[hbm4b:s16+s2] =	stream.linear.scatter [tilespmem:s31], [sflag:$0x5], $0x4000, $0x38;
	[tilespmem:$0x10200] =	vst v63  }
.Ltmp3:
0x79: {  	(pc) =	sbr.rel .LBB2_2-.Ltmp3, $4  }
0x7a: {  	s0 =	sadd.s32 s12, s15;
	s13 =	sadd.s32 s12, s14;
	s12 =	sadd.s32 $0x20, s12  }
0x7b: {  	[tilespmem:s2], [sflag:$0x1] =	stream.linear.gather [hbm4b:s0+s2], $0x80, $0x38;
	[tilespmem:$0x10200] =	vst v63  }
0x7c: {  	s16 =	sadd.s32 $0x1000, s16;
	s17 =	sadd.s32 $0x1000, s17;
	s20 =	sadd.s32 $0x8000, s20  }
0x7d: {  	[tilespmem:s21], [sflag:$0x1] =	stream.linear.gather [hbm4b:s13+s2], $0x80, $0x38;
	[tilespmem:$0x10200] =	vst v63  }
.LBB2_5:
0x7e: {  	_ =	sfence.sel $0x180000  }
0x7f: {  	[bflag:$0x0] =	sbarrier.arrive $0xFFFF  }
0x80: {  	_ =	strace $0x90000047  }
0x81: {  	s0 =	stileid.u32;
	[bflag:$0x2] =	sbarrier.arrive $0xFFFF  }
0x82: {  	p0 =	sne.s32 s0, $0x0;
	s0 =	rddreg [dreg:$0x2]  }
0x83: {  	s0 =	sadd.s32 @!p0 $0x100000, s0  }
0x84: {  	[sflag:s0] =	ssyncadd.tile.s32 @!p0 $0x1;
	_ =	shalt  }
.Lfunc_end2:
_tile_overlayer_lowered:
.L_overlay_start_2:
0x85: {  	(tag) =	ssettag $0x2  }
0x86: {  	s0 =	rddreg [dreg:$0x0];
	s2 =	stileid.u32  }
0x87: {  	s1 =	rddreg [dreg:$0x1];
	p0 =	sne.s32 s2, $0x0  }
0x88: {  	s3 =	rddreg [dreg:$0x2];
	[bflag:$0x3] =	sbarrier.arrive $0xFFFF;
	s2 =	simm.s32 @!p0 $0x1C07  }
0x89: {  	[timem:s3], [sflag:s2] =	dma.local @!p0 [hbm:s0], s1  }
0x8a: {  	s0 =	simm.s32 @!p0 $0x7  }
0x8b: {  	_ =	swait.ge @!p0 [sflag:s0], s1  }
0x8c: {  	s1 =	ssub.s32 @!p0 $0x0, s1;
	[sflag:s0] =	ssyncset.done @!p0 $0x0  }
0x8d: {  	[sflag:s0] =	ssyncadd.s32 @!p0 s1  }
0x8e: {  	[bflag:$0x3] =	sbarrier.arrive $0xFFFF  }
0x8f: {  	_ =	shalt  }

// kernel: kernel.14.cloned.1.call-start
scs
__scs_entry_jumppad:
0x0: {  	(pc) =	sbr.rel $0x88, $3  }
0x1: {  	(tag) =	ssettag $0x0;
	lr =	simm.s32 $0x1  }
0x2: {  	[smem:$0x3F90] =	sst lr;
	_ =	strace $0xD0000000  }
0x3: {  	_ = 	snop  }
0x4: {  	_ = 	snop  }
0x5: {  	_ = 	snop  }
0x6: {  	_ = 	snop  }
0x7: {  	_ = 	snop  }
__scs_overlays_trampoline_lowered:
0x8: {  	[smem:$0x3F9F] =	sst s0  }
0x9: {  	[smem:$0x3FA0] =	sst s1  }
0xa: {  	[smem:$0x3FA1] =	sst s2  }
0xb: {  	[smem:$0x3FA2] =	sst s3  }
0xc: {  	[smem:$0x3FA3] =	sst s4  }
0xd: {  	[smem:$0x3FA4] =	sst s5  }
0xe: {  	[smem:$0x3FA5] =	sst s6  }
0xf: {  	[smem:$0x3FA6] =	sst s7  }
0x10: {  	[smem:$0x3FA7] =	sst s8  }
0x11: {  	[smem:$0x3FA8] =	sst s9;
	s0 =	simm.s32 @!p0 $0x0  }
0x12: {  	s1 =	sld [smem:$0x3F8E];
	s0 =	simm.s32 @p0 $0x1  }
0x13: {  	[smem:$0x3FA9] =	sst s0;
	s0 =	simm.s32 @!p1 $0x0  }
0x14: {  	s2 =	sld [smem:$0x3F8D];
	s0 =	simm.s32 @p1 $0x1  }
0x15: {  	[smem:$0x3FAA] =	sst s0;
	s0 =	simm.s32 @!p2 $0x0  }
0x16: {  	s3 =	sld [smem:$0x3FDB];
	s0 =	simm.s32 @p2 $0x1  }
0x17: {  	s4 =	simm.s32 $0x1BF5;
	[smem:$0x3FAC] =	sst s0  }
0x18: {  	s0 =	sld [smem:$0x3F8F];
	_ =	swait.ge [sflag:s4], $0x0  }
0x19: {  	s7 =	sld [smem:$0x3F90]  }
0x1a: {  	s8 =	sadd.s32 $0xFFFFE003, lr  }
0x1b: {  	s9 =	sadd.s32 $0xFFFFFEF7, lr;
	s5 =	simm.s32 $0xFFFFFFFF;
	p2 =	slt.u32 s8, $0xFFFFF086  }
0x1c: {  	p1 =	slt.u32 s9, $0xF7A;
	s5 =	simm.s32 @!p2 $0x0  }
0x1d: {  	s5 =	simm.s32 @p1 $0x1;
	p0 =	seq.s32 s7, s2  }
0x1e: {  	s7 =	smul.u32 @!p0 $0xF7A, s2;
	p2 =	seq.s32 @!p0 s5, $0x0  }
0x1f: {  	s9 =	smul.u32 $0xF7A, s1;
	s8 =	simm.s32 @!p0 $0x1BF5;
	p2 =	por !p2, p0  }
0x20: {  	[sflag:s8] =	ssyncset.s32 @!p0 $0xFFFFF086;
	s6 =	sadd.s32 @!p0 s3, s7;
	s7 =	simm.s32 @!p0 $0x108  }
0x21: {  	s3 =	sadd.s32 s3, s9;
	s6 =	sadd.s32 @!p0 $0x88, s6;
	s7 =	simm.s32 @p2 $0x1082  }
0x22: {  	[simem:s7], [sflag:s8] =	dma.local @!p0 [hbm:s6], $0xF7A  }
0x23: {  	s9 =	sor.u32 $0xD0000000, s2;
	s6 =	simm.s32 $0x108;
	_ =	swait.ge @!p0 [sflag:s8], $0x0  }
0x24: {  	s3 =	sadd.s32 $0x88, s3;
	s6 =	simm.s32 @!p1 $0x1082;
	[sflag:s4] =	ssyncset.s32 $0xFFFFF086  }
0x25: {  	[simem:s6], [sflag:s4] =	dma.local [hbm:s3], $0xF7A  }
0x26: {  	[smem:$0x3F90] =	sst s1;
	(tag) =	ssettag s2;
	_ =	strace s9  }
0x27: {  	s1 =	sld [smem:$0x3FA0]  }
0x28: {  	s2 =	sld [smem:$0x3FA1]  }
0x29: {  	s4 =	sld [smem:$0x3FA3]  }
0x2a: {  	p0 =	seq.s32 s5, $0x0;
	s5 =	sld [smem:$0x3FA4]  }
0x2b: {  	s6 =	sld [smem:$0x3FA5]  }
0x2c: {  	s7 =	sld [smem:$0x3FA6]  }
0x2d: {  	s3 =	simm.s32 $0x108;
	s8 =	sld [smem:$0x3FA7]  }
0x2e: {  	s3 =	simm.s32 @!p0 $0x1082;
	s9 =	sld [smem:$0x3FA8]  }
0x2f: {  	lr =	sadd.s32 s0, s3;
	s0 =	sld [smem:$0x3F9F]  }
0x30: {  	s3 =	sld [smem:$0x3FA2]  }
0x31: {  	[smem:$0x3FAB] =	sst s10  }
0x32: {  	s10 =	sld [smem:$0x3FA9];
	_ =	sdelay $0x3  }
0x33: {  	p0 =	seq.s32 s10, $0x1;
	s10 =	sld [smem:$0x3FAB];
	_ =	sdelay $0x3  }
0x34: {  	[smem:$0x3FAB] =	sst s10  }
0x35: {  	s10 =	sld [smem:$0x3FAA];
	_ =	sdelay $0x3  }
0x36: {  	p1 =	seq.s32 s10, $0x1;
	s10 =	sld [smem:$0x3FAB];
	_ =	sdelay $0x3  }
0x37: {  	[smem:$0x3FAB] =	sst s10  }
0x38: {  	s10 =	sld [smem:$0x3FAC]  }
0x39: {  	_ = 	snop;
	(pc) =	sbr.ind lr, $3  }
0x3a: {  	_ = 	snop  }
0x3b: {  	_ = 	snop  }
0x3c: {  	p2 =	seq.s32 s10, $0x1;
	s10 =	sld [smem:$0x3FAB]  }
0x3d: {  	_ =	shalt  }
0x3e: {  	_ =	shalt  }
0x3f: {  	_ =	shalt  }
0x40: {  	_ =	shalt  }
0x41: {  	_ =	shalt  }
0x42: {  	_ =	shalt  }
0x43: {  	_ =	shalt  }
0x44: {  	_ =	shalt  }
0x45: {  	_ =	shalt  }
0x46: {  	_ =	shalt  }
0x47: {  	_ =	shalt  }
0x48: {  	_ =	shalt  }
0x49: {  	_ =	shalt  }
0x4a: {  	_ =	shalt  }
0x4b: {  	_ =	shalt  }
0x4c: {  	_ =	shalt  }
0x4d: {  	_ =	shalt  }
0x4e: {  	_ =	shalt  }
0x4f: {  	_ =	shalt  }
0x50: {  	_ =	shalt  }
0x51: {  	_ =	shalt  }
0x52: {  	_ =	shalt  }
0x53: {  	_ =	shalt  }
0x54: {  	_ =	shalt  }
0x55: {  	_ =	shalt  }
0x56: {  	_ =	shalt  }
0x57: {  	_ =	shalt  }
0x58: {  	_ =	shalt  }
0x59: {  	_ =	shalt  }
0x5a: {  	_ =	shalt  }
0x5b: {  	_ =	shalt  }
0x5c: {  	_ =	shalt  }
0x5d: {  	_ =	shalt  }
0x5e: {  	_ =	shalt  }
0x5f: {  	_ =	shalt  }
0x60: {  	_ =	shalt  }
0x61: {  	_ =	shalt  }
0x62: {  	_ =	shalt  }
0x63: {  	_ =	shalt  }
0x64: {  	_ =	shalt  }
0x65: {  	_ =	shalt  }
0x66: {  	_ =	shalt  }
0x67: {  	_ =	shalt  }
0x68: {  	_ =	shalt  }
0x69: {  	_ =	shalt  }
0x6a: {  	_ =	shalt  }
0x6b: {  	_ =	shalt  }
0x6c: {  	_ =	shalt  }
0x6d: {  	_ =	shalt  }
0x6e: {  	_ =	shalt  }
0x6f: {  	_ =	shalt  }
0x70: {  	_ =	shalt  }
0x71: {  	_ =	shalt  }
0x72: {  	_ =	shalt  }
0x73: {  	_ =	shalt  }
0x74: {  	_ =	shalt  }
0x75: {  	_ =	shalt  }
0x76: {  	_ =	shalt  }
0x77: {  	_ =	shalt  }
0x78: {  	_ =	shalt  }
0x79: {  	_ =	shalt  }
0x7a: {  	_ =	shalt  }
0x7b: {  	_ =	shalt  }
0x7c: {  	_ =	shalt  }
0x7d: {  	_ =	shalt  }
0x7e: {  	_ =	shalt  }
0x7f: {  	_ =	shalt  }
0x80: {  	_ =	shalt  }
0x81: {  	_ =	shalt  }
0x82: {  	_ =	shalt  }
0x83: {  	_ =	shalt  }
0x84: {  	_ =	shalt  }
0x85: {  	_ =	shalt  }
0x86: {  	_ =	shalt  }
0x87: {  	_ =	shalt  }
.Lfunc_end0:
.L_simem_size_0:
called_computation.2_lowered:
.L_overlay_start_0:
0x88: {  	s2 =	sld [smem:$0x3FD9]  }
0x89: {  	s3 =	sld [smem:$0x3FFE];
	_ =	sdelay $0x1  }
0x8a: {  	s1 =	srdreg.scid  }
0x8b: {  	s0 =	sand.u32 $0x1, s1  }
0x8c: {  	s17 =	sshll.u32 s0, $0xA;
	s2 =	sadd.s32 s3, s2  }
0x8d: {  	s2 =	sadd.s32 s2, s17  }
0x8e: {  	[smem:$0x3FB7] =	sst s2  }
0x8f: {  	_ = 	snop  }
0x90: {  	(tm) =	ssettm $0x1  }
0x91: {  	s18 =	sld [smem:$0x3FFB];
	_ =	sdelay $0x3  }
0x92: {  	_ =	strace s18  }
0x93: {  	s2 =	sld [smem:$0x3FFC];
	_ =	sdelay $0x3  }
0x94: {  	_ =	strace s2  }
0x95: {  	s2 =	sld [smem:$0x3FFD];
	_ =	sdelay $0x3  }
0x96: {  	_ =	strace s2  }
0x97: {  	_ =	strace $0x8FFFFFFF  }
0x98: {  	s19 =	sld [smem:$0x3FDB];
	_ =	sdelay $0x1  }
0x99: {  	s20 =	simm.s32 $_scs_section_size  }
0x9a: {  	s4 =	simm.s32 $_size__tile_overlayer_lowered;
	s5 =	simm.s32 $_tile_overlayer_lowered  }
0x9b: {  	s6 =	simm.s32 $0x1BFF;
	s21 =	sshll.u32 s5, $0x1;
	s3 =	sadd.s32 s20, s19  }
0x9c: {  	s22 =	simm.s32 $0x0;
	s4 =	sshll.u32 s4, $0x1;
	s5 =	sadd.s32 s21, s3  }
0x9d: {  	[timem:s22], [sflag:s6] =	dma.local [hbm:s5], s4  }
0x9e: {  	_ =	swait.ge [sflag:s6], s4  }
0x9f: {  	s4 =	ssub.s32 $0x0, s4;
	[sflag:s6] =	ssyncset.done $0x0  }
0xa0: {  	[sflag:s6] =	ssyncadd.s32 s4;
	_ =	sdelay $0x1  }
0xa1: {  	s23 =	simm.s32 $0x1B8B  }
0xa2: {  	_ =	swait.ge [sflag:s23], $0x1  }
0xa3: {  	[sflag:s23] =	ssyncset.done $0x0  }
0xa4: {  	[sflag:s23] =	ssyncadd.s32 $0xFFFFFFFF  }
0xa5: {  	s4 =	sld [smem:$0x0]  }
0xa6: {  	s5 =	sand.u32 $0xFFFFFFFE, s1  }
0xa7: {  	p0 =	sne.s32 s1, s5  }
0xa8: {  	s5 =	sshll.u32 @p0 s5, $0xE  }
0xa9: {  	s5 =	sadd.s32 @p0 $0x11B8D, s5;
	s6 =	sshll.u32 @p0 s4, $0x11  }
0xaa: {  	s5 =	sor.u32 @p0 s6, s5  }
0xab: {  	[sflag:s5] =	ssyncadd.remote.s32 @p0 $0x1;
	_ =	sdelay $0x1  }
0xac: {  	s5 =	simm.s32 @p0 $0x1B8D  }
0xad: {  	_ =	swait.eq @p0 [sflag:s5], $0x1  }
0xae: {  	[sflag:s5] =	ssyncadd.s32 @p0 $0xFFFFFFFF  }
0xaf: {  	s6 =	sshll.u32 @!p0 s1, $0xE  }
0xb0: {  	s6 =	sor.u32 @!p0 $0x4000, s6;
	s5 =	simm.s32 @!p0 $0x1B8D  }
0xb1: {  	s4 =	sshll.u32 @!p0 s4, $0x11;
	s6 =	sadd.s32 @!p0 $0x11B8D, s6;
	_ =	swait.eq @!p0 [sflag:s5], $0x1  }
0xb2: {  	s4 =	sor.u32 @!p0 s4, s6;
	[sflag:s5] =	ssyncadd.s32 @!p0 $0xFFFFFFFF  }
0xb3: {  	s25 =	simm.s32 $0x1B8E;
	s24 =	sld [smem:$0x3FFE];
	[sflag:s4] =	ssyncadd.remote.s32 @!p0 $0x1  }
0xb4: {  	s26 =	simm.s32 $execute0_lowered;
	[smem:$0x3FD2] =	sst s25  }
0xb5: {  	s5 =	sshll.u32 s26, $0x1;
	_ =	strace $0x8000004C;
	[dreg:$0x1] =	wrdreg $0xFFFFFFFF  }
0xb6: {  	s28 =	simm.s32 $_size_execute0_lowered;
	s3 =	sadd.s32 s3, s5;
	[dreg:$0x0] =	wrdreg $0x0  }
0xb7: {  	s5 =	sshll.u32 s28, $0x1;
	[dreg:$0x2] =	wrdreg s3  }
0xb8: {  	[dreg:$0x3] =	wrdreg s5  }
0xb9: {  	[dreg:$0x4] =	wrdreg $0xC0  }
0xba: {  	_ =	task [dreg:s22], $0x5FFFF  }
0xbb: {  	[dreg:$0x1] =	wrdreg $0xFFFFFFFF  }
0xbc: {  	[dreg:$0x0] =	wrdreg $0x60  }
0xbd: {  	[dreg:$0x2] =	wrdreg s24  }
0xbe: {  	[dreg:$0x3] =	wrdreg $0x81000  }
0xbf: {  	[dreg:$0x4] =	wrdreg $0xA  }
0xc0: {  	_ =	task.clear_ibuf [dreg:s22], $0x5FFFF;
	_ =	strace $0x9000004C  }
0xc1: {  	s29 =	simm.s32 $0xA;
	_ =	strace $0x8000004E  }
0xc2: {  	_ =	swait.ge [sflag:s29], $0x1  }
0xc3: {  	[sflag:s29] =	ssyncadd.s32 $0xFFFFFFFF  }
0xc4: {  	_ =	strace $0x9000004E  }
0xc5: {  	_ =	sfence  }
0xc6: {  	s30 =	sld [smem:$0x0];
	_ =	sdelay $0x2  }
0xc7: {  	s31 =	sshll.u32 s1, $0xD;
	s1 =	sshrl.u32 s1, $0x2  }
0xc8: {  	s4 =	sand.u32 $0x4000, s31;
	s1 =	sadd.s32 s1, s30  }
0xc9: {  	s0 =	sor.u32 s4, s0;
	s1 =	sshll.u32 s1, $0x11  }
0xca: {  	s0 =	sor.u32 s1, s0  }
0xcb: {  	s0 =	sadd.s32 $0x8F2B, s0  }
0xcc: {  	[sflag:s0] =	ssyncadd.remote.s32 $0x1  }
0xcd: {  	_ =	sfence.sel $0xFFFF  }
0xce: {  	[dreg:$0x0] =	wrdreg $0xFFFFFFFF;
	(pc) =	sbr.abs _section_cstart, $3  }
0xcf: {  	[dreg:$0x1] =	wrdreg $0xFFFFFFFF  }
0xd0: {  	_ =	task.clear_ibuf [dreg:s22], $0x2FFFF;
	_ =	strace $0x9FFFFFFF  }
0xd1: {  	(tm) =	ssettm $0x7FFFFFFF  }
tec
execute0_lowered:
.L_overlay_start_1:
0x0: {  	(tag) =	ssettag $0x1  }
0x1: {  	s2 =	srdreg.scid  }
0x2: {  	s6 =	sand.u32 $0x1, s2  }
0x3: {  	s2 =	stileid.u32;
	s4 =	smul.u32 $0x13C000, s6  }
0x4: {  	s5 =	rddreg [dreg:$0x0];
	s7 =	smul.u32 $0x13C00, s2  }
0x5: {  	s1 =	rddreg [dreg:$0x1];
	s3 =	simm.s32 $0x0;
	s10 =	smul.u32 $0x50, s2  }
0x6: {  	s28 =	simm.s32 $0x6;
	[smem:$0x7FF] =	sst s3;
	s8 =	smul.u32 $0x4F000, s2  }
0x7: {  	s16 =	sadd.s32 $0x651400, s5;
	s12 =	sadd.s32 $0x5FAC00, s5;
	s13 =	smul.u32 $0x1400000, s6  }
0x8: {  	s29 =	simm.s32 $0x0;
	_ =	strace $0x8000004D;
	s22 =	smul.u32 $0x2800, s2  }
0x9: {  	s19 =	ssub.s32 $0x2, s6;
	s23 =	smul.u32 $0x140000, s2;
	s24 =	sshll.u32 s2, $0x6  }
0xa: {  	s25 =	smul.u32 $0x500, s2;
	s20 =	sshrl.u32 s19, $0x1;
	s7 =	sadd.s32 s7, s4  }
0xb: {  	s4 =	sadd.s32 $0x5FFC00, s5;
	s21 =	sshrl.u32 s8, $0x2;
	s14 =	ssub.s32 s19, s20  }
0xc: {  	s8 =	sor.u32 $0x80, s22;
	s15 =	sadd.s32 s23, s13;
	s6 =	sadd.s32 s12, s25  }
0xd: {  	s18 =	sor.u32 $0x2, s10;
	s20 =	simm.s32 $0x80;
	s22 =	simm.s32 $0x1  }
0xe: {  	s23 =	simm.s32 $0x3;
	s25 =	simm.s32 $0x4;
	s7 =	sshrl.u32 s7, $0x3  }
0xf: {  	s17 =	sadd.s32 s21, s1;
	s9 =	sshll.u32 s8, $0x7;
	s26 =	sshrl.u32 s15, $0x3  }
0x10: {  	s8 =	sshrl.u32 s8, $0x3;
	s19 =	sshll.u32 s18, $0x4;
	s18 =	sshll.u32 s18, $0xE  }
0x11: {  	s30 =	sor.u32 $0x10000, s15;
	s15 =	sor.u32 $0xC000, s15;
	s21 =	simm.s32 $0x4100  }
0x12: {  	s11 =	sadd.s32 s7, s5;
	s5 =	sor.u32 $0x1C07, s24;
	s9 =	sadd.s32 s13, s9  }
0x13: {  	s7 =	sadd.s32 s16, s26;
	s8 =	sadd.s32 s12, s8;
	s12 =	sadd.s32 s12, s19  }
0x14: {  	s13 =	sadd.s32 s13, s18;
	s31 =	sshrl.u32 s15, $0x3;
	s15 =	sadd.s32 $0x40, s6  }
.Ltmp0:
0x15: {  	s17 =	sshrl.u32 s17, $0x3;
	s18 =	simm.s32 $0x7;
	(pc) =	sbr.rel .LBB2_1-.Ltmp0, $4  }
0x16: {  	s19 =	simm.s32 $0x100;
	s24 =	simm.s32 $0x2;
	s26 =	simm.s32 $0x5  }
0x17: {  	s9 =	sshrl.u32 s9, $0x3;
	s10 =	sadd.s32 $0x3C00, s11;
	s11 =	smax.u32 s14, $0x1  }
0x18: {  	s13 =	sshrl.u32 s13, $0x3;
	s14 =	sshrl.u32 s30, $0x3;
	s9 =	sadd.s32 s16, s9  }
0x19: {  	s13 =	sadd.s32 s16, s13;
	s14 =	sadd.s32 s14, s16;
	s16 =	sadd.s32 s31, s16  }
.LBB2_4:
0x1a: {  	_ =	swait.ge [sflag:s28], $0x4000  }
0x1b: {  	s29 =	sadd.s32 $0x1, s29;
	[sflag:s28] =	ssyncset.done $0x0  }
0x1c: {  	p0 =	sne.s32 s29, s11;
	[sflag:s28] =	ssyncadd.s32 $0xFFFFC000  }
.Ltmp1:
0x1d: {  	[bflag:$0x0] =	sbarrier.arrive $0xFFFF;
	(pc) =	sbr.rel @!p0 .LBB2_5-.Ltmp1, $4  }
0x1e: {  	[hbm:s10], [sflag:s5] =	dma.local [spmem:s17], $0x2780  }
0x1f: {  	_ =	swait.ge [sflag:s18], $0x2780  }
0x20: {  	[sflag:s18] =	ssyncset.done $0x0  }
0x21: {  	[sflag:s18] =	ssyncadd.s32 $0xFFFFD880  }
.LBB2_1:
0x22: {  	[spmem:s17], [sflag:s5] =	dma.local [hbm:s4], $0x2780  }
0x23: {  	_ =	swait.ge [sflag:s18], $0x2780  }
0x24: {  	[sflag:s18] =	ssyncset.done $0x0  }
0x25: {  	[sflag:s18] =	ssyncadd.s32 $0xFFFFD880  }
0x26: {  	[bflag:$0x0] =	sbarrier.arrive $0xFFFF  }
0x27: {  	[tilespmem:s3], [sflag:$0x1] =	stream.linear.gather [hbm4b:s6+s3], $0x80, $0x38;
	[tilespmem:$0x1BD00] =	vst v63  }
0x28: {  	_ = 	snop  }
0x29: {  	[tilespmem:s19], [sflag:$0x3] =	stream.linear.gather [hbm4b:s7+s3], $0x4000, $0x38;
	[tilespmem:$0x1BD00] =	vst v63  }
0x2a: {  	_ = 	snop  }
0x2b: {  	[tilespmem:s20], [sflag:$0x2] =	stream.linear.gather [hbm4b:s8+s3], $0x80, $0x38;
	[tilespmem:$0x1BD00] =	vst v63  }
0x2c: {  	_ = 	snop  }
0x2d: {  	[tilespmem:s21], [sflag:$0x4] =	stream.linear.gather [hbm4b:s9+s3], $0x4000, $0x38;
	[tilespmem:$0x1BD00] =	vst v63  }
0x2e: {  	_ =	swait.ge [sflag:s22], $0x80  }
0x2f: {  	[sflag:s22] =	ssyncset.done $0x0  }
0x30: {  	[sflag:s22] =	ssyncadd.s32 $0xFFFFFF80  }
0x31: {  	_ =	swait.ge [sflag:s23], $0x4000  }
0x32: {  	[sflag:s23] =	ssyncset.done $0x0  }
0x33: {  	[sflag:s23] =	ssyncadd.s32 $0xFFFFC000  }
0x34: {  	[spmem:s1] =	stream.indirect.scatter.add.f32 [tilespmem:s19], [sflag:$0x5], $0x80, s3, s20, $0xb8;
	[tilespmem:$0x1BD00] =	vst v63  }
0x35: {  	_ =	swait.ge [sflag:s24], $0x80  }
0x36: {  	[sflag:s24] =	ssyncset.done $0x0  }
0x37: {  	[sflag:s24] =	ssyncadd.s32 $0xFFFFFF80  }
0x38: {  	_ =	swait.ge [sflag:s25], $0x4000  }
0x39: {  	[sflag:s25] =	ssyncset.done $0x0  }
0x3a: {  	[sflag:s25] =	ssyncadd.s32 $0xFFFFC000  }
0x3b: {  	[spmem:s1] =	stream.indirect.scatter.add.f32 [tilespmem:s21], [sflag:$0x6], $0x80, s20, s20, $0xb8;
	[tilespmem:$0x1BD00] =	vst v63  }
0x3c: {  	_ =	swait.ge [sflag:s26], $0x4000  }
0x3d: {  	[sflag:s26] =	ssyncset.done $0x0  }
0x3e: {  	[sflag:s26] =	ssyncadd.s32 $0xFFFFC000  }
0x3f: {  	[tilespmem:s3], [sflag:$0x1] =	stream.linear.gather [hbm4b:s12+s3], $0x80, $0x38;
	[tilespmem:$0x1BD00] =	vst v63  }
0x40: {  	s30 =	smov.u32 s15;
	s31 =	simm.s32 $0x0  }
0x41: {  	[tilespmem:s19], [sflag:$0x3] =	stream.linear.gather [hbm4b:s13+s3], $0x4000, $0x38;
	[tilespmem:$0x1BD00] =	vst v63  }
.LBB2_2:
0x42: {  	_ =	swait.ge [sflag:s22], $0x80  }
0x43: {  	[sflag:s22] =	ssyncset.done $0x0  }
0x44: {  	[sflag:s22] =	ssyncadd.s32 $0xFFFFFF80  }
0x45: {  	_ =	swait.ge [sflag:s23], $0x4000  }
0x46: {  	[sflag:s23] =	ssyncset.done $0x0  }
0x47: {  	[sflag:s23] =	ssyncadd.s32 $0xFFFFC000  }
0x48: {  	[spmem:s1] =	stream.indirect.scatter.add.f32 [tilespmem:s19], [sflag:$0x5], $0x80, s3, s20, $0xb8;
	[tilespmem:$0x1BD00] =	vst v63  }
0x49: {  	_ =	swait.ge [sflag:s28], $0x4000  }
0x4a: {  	[sflag:s28] =	ssyncset.done $0x0  }
0x4b: {  	s0 =	sadd.s32 $0xFFFFFFF0, s30;
	[sflag:s28] =	ssyncadd.s32 $0xFFFFC000  }
0x4c: {  	[tilespmem:s20], [sflag:$0x2] =	stream.linear.gather [hbm4b:s0+s3], $0x80, $0x38;
	[tilespmem:$0x1BD00] =	vst v63  }
0x4d: {  	s0 =	sadd.s32 s31, s16  }
0x4e: {  	[tilespmem:s21], [sflag:$0x4] =	stream.linear.gather [hbm4b:s0+s3], $0x4000, $0x38;
	[tilespmem:$0x1BD00] =	vst v63  }
0x4f: {  	_ =	swait.ge [sflag:s24], $0x80  }
0x50: {  	[sflag:s24] =	ssyncset.done $0x0  }
0x51: {  	[sflag:s24] =	ssyncadd.s32 $0xFFFFFF80  }
0x52: {  	_ =	swait.ge [sflag:s25], $0x4000  }
0x53: {  	p0 =	seq.s32 s31, $0x26000;
	[sflag:s25] =	ssyncset.done $0x0  }
.Ltmp2:
0x54: {  	[sflag:s25] =	ssyncadd.s32 $0xFFFFC000;
	(pc) =	sbr.rel @p0 .LBB2_4-.Ltmp2, $4  }
0x55: {  	[spmem:s1] =	stream.indirect.scatter.add.f32 [tilespmem:s21], [sflag:$0x6], $0x80, s20, s20, $0xb8;
	[tilespmem:$0x1BD00] =	vst v63  }
0x56: {  	_ =	swait.ge [sflag:s26], $0x4000  }
0x57: {  	[sflag:s26] =	ssyncset.done $0x0  }
0x58: {  	[sflag:s26] =	ssyncadd.s32 $0xFFFFC000  }
.Ltmp3:
0x59: {  	(pc) =	sbr.rel .LBB2_2-.Ltmp3, $4  }
0x5a: {  	_ = 	snop  }
0x5b: {  	[tilespmem:s3], [sflag:$0x1] =	stream.linear.gather [hbm4b:s30+s3], $0x80, $0x38;
	[tilespmem:$0x1BD00] =	vst v63  }
0x5c: {  	s0 =	sadd.s32 s31, s14;
	s31 =	sadd.s32 $0x1000, s31;
	s30 =	sadd.s32 $0x20, s30  }
0x5d: {  	[tilespmem:s19], [sflag:$0x3] =	stream.linear.gather [hbm4b:s0+s3], $0x4000, $0x38;
	[tilespmem:$0x1BD00] =	vst v63  }
.LBB2_5:
0x5e: {  	_ =	sfence.sel $0x180000  }
0x5f: {  	[bflag:$0x0] =	sbarrier.arrive $0xFFFF  }
0x60: {  	_ =	strace $0x9000004D  }
0x61: {  	[bflag:$0x2] =	sbarrier.arrive $0xFFFF  }
0x62: {  	p0 =	sne.s32 s2, $0x0;
	s0 =	rddreg [dreg:$0x2]  }
0x63: {  	s0 =	sadd.s32 @!p0 $0x100000, s0  }
0x64: {  	[sflag:s0] =	ssyncadd.tile.s32 @!p0 $0x1;
	_ =	shalt  }
.Lfunc_end2:
_tile_overlayer_lowered:
.L_overlay_start_2:
0x65: {  	(tag) =	ssettag $0x2  }
0x66: {  	s0 =	rddreg [dreg:$0x0];
	s2 =	stileid.u32  }
0x67: {  	s1 =	rddreg [dreg:$0x1];
	p0 =	sne.s32 s2, $0x0  }
0x68: {  	s3 =	rddreg [dreg:$0x2];
	[bflag:$0x3] =	sbarrier.arrive $0xFFFF;
	s2 =	simm.s32 @!p0 $0x1C07  }
0x69: {  	[timem:s3], [sflag:s2] =	dma.local @!p0 [hbm:s0], s1  }
0x6a: {  	s0 =	simm.s32 @!p0 $0x7  }
0x6b: {  	_ =	swait.ge @!p0 [sflag:s0], s1  }
0x6c: {  	s1 =	ssub.s32 @!p0 $0x0, s1;
	[sflag:s0] =	ssyncset.done @!p0 $0x0  }
0x6d: {  	[sflag:s0] =	ssyncadd.s32 @!p0 s1  }
0x6e: {  	[bflag:$0x3] =	sbarrier.arrive $0xFFFF  }
0x6f: {  	_ =	shalt  }

// kernel: kernel.8.cloned.1.call-start
scs
__scs_entry_jumppad:
0x0: {  	(pc) =	sbr.rel $0x88, $3  }
0x1: {  	(tag) =	ssettag $0x0;
	lr =	simm.s32 $0x1  }
0x2: {  	[smem:$0x3F90] =	sst lr;
	_ =	strace $0xD0000000  }
0x3: {  	_ = 	snop  }
0x4: {  	_ = 	snop  }
0x5: {  	_ = 	snop  }
0x6: {  	_ = 	snop  }
0x7: {  	_ = 	snop  }
__scs_overlays_trampoline_lowered:
0x8: {  	[smem:$0x3F9F] =	sst s0  }
0x9: {  	[smem:$0x3FA0] =	sst s1  }
0xa: {  	[smem:$0x3FA1] =	sst s2  }
0xb: {  	[smem:$0x3FA2] =	sst s3  }
0xc: {  	[smem:$0x3FA3] =	sst s4  }
0xd: {  	[smem:$0x3FA4] =	sst s5  }
0xe: {  	[smem:$0x3FA5] =	sst s6  }
0xf: {  	[smem:$0x3FA6] =	sst s7  }
0x10: {  	[smem:$0x3FA7] =	sst s8  }
0x11: {  	[smem:$0x3FA8] =	sst s9;
	s0 =	simm.s32 @!p0 $0x0  }
0x12: {  	s1 =	sld [smem:$0x3F8E];
	s0 =	simm.s32 @p0 $0x1  }
0x13: {  	[smem:$0x3FA9] =	sst s0;
	s0 =	simm.s32 @!p1 $0x0  }
0x14: {  	s2 =	sld [smem:$0x3F8D];
	s0 =	simm.s32 @p1 $0x1  }
0x15: {  	[smem:$0x3FAA] =	sst s0;
	s0 =	simm.s32 @!p2 $0x0  }
0x16: {  	s3 =	sld [smem:$0x3FDB];
	s0 =	simm.s32 @p2 $0x1  }
0x17: {  	s4 =	simm.s32 $0x1BF5;
	[smem:$0x3FAC] =	sst s0  }
0x18: {  	s0 =	sld [smem:$0x3F8F];
	_ =	swait.ge [sflag:s4], $0x0  }
0x19: {  	s7 =	sld [smem:$0x3F90]  }
0x1a: {  	s8 =	sadd.s32 $0xFFFFE003, lr  }
0x1b: {  	s9 =	sadd.s32 $0xFFFFFEF7, lr;
	s5 =	simm.s32 $0xFFFFFFFF;
	p2 =	slt.u32 s8, $0xFFFFF086  }
0x1c: {  	p1 =	slt.u32 s9, $0xF7A;
	s5 =	simm.s32 @!p2 $0x0  }
0x1d: {  	s5 =	simm.s32 @p1 $0x1;
	p0 =	seq.s32 s7, s2  }
0x1e: {  	s7 =	smul.u32 @!p0 $0xF7A, s2;
	p2 =	seq.s32 @!p0 s5, $0x0  }
0x1f: {  	s9 =	smul.u32 $0xF7A, s1;
	s8 =	simm.s32 @!p0 $0x1BF5;
	p2 =	por !p2, p0  }
0x20: {  	[sflag:s8] =	ssyncset.s32 @!p0 $0xFFFFF086;
	s6 =	sadd.s32 @!p0 s3, s7;
	s7 =	simm.s32 @!p0 $0x108  }
0x21: {  	s3 =	sadd.s32 s3, s9;
	s6 =	sadd.s32 @!p0 $0x88, s6;
	s7 =	simm.s32 @p2 $0x1082  }
0x22: {  	[simem:s7], [sflag:s8] =	dma.local @!p0 [hbm:s6], $0xF7A  }
0x23: {  	s9 =	sor.u32 $0xD0000000, s2;
	s6 =	simm.s32 $0x108;
	_ =	swait.ge @!p0 [sflag:s8], $0x0  }
0x24: {  	s3 =	sadd.s32 $0x88, s3;
	s6 =	simm.s32 @!p1 $0x1082;
	[sflag:s4] =	ssyncset.s32 $0xFFFFF086  }
0x25: {  	[simem:s6], [sflag:s4] =	dma.local [hbm:s3], $0xF7A  }
0x26: {  	[smem:$0x3F90] =	sst s1;
	(tag) =	ssettag s2;
	_ =	strace s9  }
0x27: {  	s1 =	sld [smem:$0x3FA0]  }
0x28: {  	s2 =	sld [smem:$0x3FA1]  }
0x29: {  	s4 =	sld [smem:$0x3FA3]  }
0x2a: {  	p0 =	seq.s32 s5, $0x0;
	s5 =	sld [smem:$0x3FA4]  }
0x2b: {  	s6 =	sld [smem:$0x3FA5]  }
0x2c: {  	s7 =	sld [smem:$0x3FA6]  }
0x2d: {  	s3 =	simm.s32 $0x108;
	s8 =	sld [smem:$0x3FA7]  }
0x2e: {  	s3 =	simm.s32 @!p0 $0x1082;
	s9 =	sld [smem:$0x3FA8]  }
0x2f: {  	lr =	sadd.s32 s0, s3;
	s0 =	sld [smem:$0x3F9F]  }
0x30: {  	s3 =	sld [smem:$0x3FA2]  }
0x31: {  	[smem:$0x3FAB] =	sst s10  }
0x32: {  	s10 =	sld [smem:$0x3FA9];
	_ =	sdelay $0x3  }
0x33: {  	p0 =	seq.s32 s10, $0x1;
	s10 =	sld [smem:$0x3FAB];
	_ =	sdelay $0x3  }
0x34: {  	[smem:$0x3FAB] =	sst s10  }
0x35: {  	s10 =	sld [smem:$0x3FAA];
	_ =	sdelay $0x3  }
0x36: {  	p1 =	seq.s32 s10, $0x1;
	s10 =	sld [smem:$0x3FAB];
	_ =	sdelay $0x3  }
0x37: {  	[smem:$0x3FAB] =	sst s10  }
0x38: {  	s10 =	sld [smem:$0x3FAC]  }
0x39: {  	_ = 	snop;
	(pc) =	sbr.ind lr, $3  }
0x3a: {  	_ = 	snop  }
0x3b: {  	_ = 	snop  }
0x3c: {  	p2 =	seq.s32 s10, $0x1;
	s10 =	sld [smem:$0x3FAB]  }
0x3d: {  	_ =	shalt  }
0x3e: {  	_ =	shalt  }
0x3f: {  	_ =	shalt  }
0x40: {  	_ =	shalt  }
0x41: {  	_ =	shalt  }
0x42: {  	_ =	shalt  }
0x43: {  	_ =	shalt  }
0x44: {  	_ =	shalt  }
0x45: {  	_ =	shalt  }
0x46: {  	_ =	shalt  }
0x47: {  	_ =	shalt  }
0x48: {  	_ =	shalt  }
0x49: {  	_ =	shalt  }
0x4a: {  	_ =	shalt  }
0x4b: {  	_ =	shalt  }
0x4c: {  	_ =	shalt  }
0x4d: {  	_ =	shalt  }
0x4e: {  	_ =	shalt  }
0x4f: {  	_ =	shalt  }
0x50: {  	_ =	shalt  }
0x51: {  	_ =	shalt  }
0x52: {  	_ =	shalt  }
0x53: {  	_ =	shalt  }
0x54: {  	_ =	shalt  }
0x55: {  	_ =	shalt  }
0x56: {  	_ =	shalt  }
0x57: {  	_ =	shalt  }
0x58: {  	_ =	shalt  }
0x59: {  	_ =	shalt  }
0x5a: {  	_ =	shalt  }
0x5b: {  	_ =	shalt  }
0x5c: {  	_ =	shalt  }
0x5d: {  	_ =	shalt  }
0x5e: {  	_ =	shalt  }
0x5f: {  	_ =	shalt  }
0x60: {  	_ =	shalt  }
0x61: {  	_ =	shalt  }
0x62: {  	_ =	shalt  }
0x63: {  	_ =	shalt  }
0x64: {  	_ =	shalt  }
0x65: {  	_ =	shalt  }
0x66: {  	_ =	shalt  }
0x67: {  	_ =	shalt  }
0x68: {  	_ =	shalt  }
0x69: {  	_ =	shalt  }
0x6a: {  	_ =	shalt  }
0x6b: {  	_ =	shalt  }
0x6c: {  	_ =	shalt  }
0x6d: {  	_ =	shalt  }
0x6e: {  	_ =	shalt  }
0x6f: {  	_ =	shalt  }
0x70: {  	_ =	shalt  }
0x71: {  	_ =	shalt  }
0x72: {  	_ =	shalt  }
0x73: {  	_ =	shalt  }
0x74: {  	_ =	shalt  }
0x75: {  	_ =	shalt  }
0x76: {  	_ =	shalt  }
0x77: {  	_ =	shalt  }
0x78: {  	_ =	shalt  }
0x79: {  	_ =	shalt  }
0x7a: {  	_ =	shalt  }
0x7b: {  	_ =	shalt  }
0x7c: {  	_ =	shalt  }
0x7d: {  	_ =	shalt  }
0x7e: {  	_ =	shalt  }
0x7f: {  	_ =	shalt  }
0x80: {  	_ =	shalt  }
0x81: {  	_ =	shalt  }
0x82: {  	_ =	shalt  }
0x83: {  	_ =	shalt  }
0x84: {  	_ =	shalt  }
0x85: {  	_ =	shalt  }
0x86: {  	_ =	shalt  }
0x87: {  	_ =	shalt  }
.Lfunc_end0:
.L_simem_size_0:
called_computation_lowered:
.L_overlay_start_0:
0x88: {  	s2 =	sld [smem:$0x3FD9]  }
0x89: {  	s3 =	sld [smem:$0x3FFE];
	_ =	sdelay $0x1  }
0x8a: {  	s1 =	srdreg.scid  }
0x8b: {  	s0 =	sand.u32 $0x1, s1  }
0x8c: {  	s17 =	sshll.u32 s0, $0xA;
	s2 =	sadd.s32 s3, s2  }
0x8d: {  	s2 =	sadd.s32 s2, s17  }
0x8e: {  	[smem:$0x3FB7] =	sst s2  }
0x8f: {  	_ = 	snop  }
0x90: {  	(tm) =	ssettm $0x1  }
0x91: {  	s18 =	sld [smem:$0x3FFB];
	_ =	sdelay $0x3  }
0x92: {  	_ =	strace s18  }
0x93: {  	s2 =	sld [smem:$0x3FFC];
	_ =	sdelay $0x3  }
0x94: {  	_ =	strace s2  }
0x95: {  	s2 =	sld [smem:$0x3FFD];
	_ =	sdelay $0x3  }
0x96: {  	_ =	strace s2  }
0x97: {  	_ =	strace $0x8FFFFFFF  }
0x98: {  	s19 =	sld [smem:$0x3FDB];
	_ =	sdelay $0x1  }
0x99: {  	s20 =	simm.s32 $_scs_section_size  }
0x9a: {  	s4 =	simm.s32 $_size__tile_overlayer_lowered;
	s5 =	simm.s32 $_tile_overlayer_lowered  }
0x9b: {  	s6 =	simm.s32 $0x1BFF;
	s21 =	sshll.u32 s5, $0x1;
	s3 =	sadd.s32 s20, s19  }
0x9c: {  	s22 =	simm.s32 $0x0;
	s4 =	sshll.u32 s4, $0x1;
	s5 =	sadd.s32 s21, s3  }
0x9d: {  	[timem:s22], [sflag:s6] =	dma.local [hbm:s5], s4  }
0x9e: {  	_ =	swait.ge [sflag:s6], s4  }
0x9f: {  	s4 =	ssub.s32 $0x0, s4;
	[sflag:s6] =	ssyncset.done $0x0  }
0xa0: {  	[sflag:s6] =	ssyncadd.s32 s4;
	_ =	sdelay $0x1  }
0xa1: {  	s23 =	simm.s32 $0x1B8B  }
0xa2: {  	_ =	swait.ge [sflag:s23], $0x1  }
0xa3: {  	[sflag:s23] =	ssyncset.done $0x0  }
0xa4: {  	[sflag:s23] =	ssyncadd.s32 $0xFFFFFFFF  }
0xa5: {  	s4 =	sld [smem:$0x0]  }
0xa6: {  	s5 =	sand.u32 $0xFFFFFFFE, s1  }
0xa7: {  	p0 =	sne.s32 s1, s5  }
0xa8: {  	s5 =	sshll.u32 @p0 s5, $0xE  }
0xa9: {  	s5 =	sadd.s32 @p0 $0x11B8D, s5;
	s6 =	sshll.u32 @p0 s4, $0x11  }
0xaa: {  	s5 =	sor.u32 @p0 s6, s5  }
0xab: {  	[sflag:s5] =	ssyncadd.remote.s32 @p0 $0x1;
	_ =	sdelay $0x1  }
0xac: {  	s5 =	simm.s32 @p0 $0x1B8D  }
0xad: {  	_ =	swait.eq @p0 [sflag:s5], $0x1  }
0xae: {  	[sflag:s5] =	ssyncadd.s32 @p0 $0xFFFFFFFF  }
0xaf: {  	s6 =	sshll.u32 @!p0 s1, $0xE  }
0xb0: {  	s6 =	sor.u32 @!p0 $0x4000, s6;
	s5 =	simm.s32 @!p0 $0x1B8D  }
0xb1: {  	s4 =	sshll.u32 @!p0 s4, $0x11;
	s6 =	sadd.s32 @!p0 $0x11B8D, s6;
	_ =	swait.eq @!p0 [sflag:s5], $0x1  }
0xb2: {  	s4 =	sor.u32 @!p0 s4, s6;
	[sflag:s5] =	ssyncadd.s32 @!p0 $0xFFFFFFFF  }
0xb3: {  	s25 =	simm.s32 $0x1B8E;
	s24 =	sld [smem:$0x3FFE];
	[sflag:s4] =	ssyncadd.remote.s32 @!p0 $0x1  }
0xb4: {  	s26 =	simm.s32 $execute0_lowered;
	[smem:$0x3FD2] =	sst s25  }
0xb5: {  	s5 =	sshll.u32 s26, $0x1;
	_ =	strace $0x80000049;
	[dreg:$0x1] =	wrdreg $0xFFFFFFFF  }
0xb6: {  	s28 =	simm.s32 $_size_execute0_lowered;
	s3 =	sadd.s32 s3, s5;
	[dreg:$0x0] =	wrdreg $0x0  }
0xb7: {  	s5 =	sshll.u32 s28, $0x1;
	[dreg:$0x2] =	wrdreg s3  }
0xb8: {  	[dreg:$0x3] =	wrdreg s5  }
0xb9: {  	[dreg:$0x4] =	wrdreg $0xC0  }
0xba: {  	_ =	task [dreg:s22], $0x5FFFF  }
0xbb: {  	[dreg:$0x1] =	wrdreg $0xFFFFFFFF  }
0xbc: {  	[dreg:$0x0] =	wrdreg $0x60  }
0xbd: {  	[dreg:$0x2] =	wrdreg s24  }
0xbe: {  	[dreg:$0x3] =	wrdreg $0x82000  }
0xbf: {  	[dreg:$0x4] =	wrdreg $0x9  }
0xc0: {  	_ =	task.clear_ibuf [dreg:s22], $0x5FFFF;
	_ =	strace $0x90000049  }
0xc1: {  	s29 =	simm.s32 $0x9;
	_ =	strace $0x8000004B  }
0xc2: {  	_ =	swait.ge [sflag:s29], $0x1  }
0xc3: {  	[sflag:s29] =	ssyncadd.s32 $0xFFFFFFFF  }
0xc4: {  	_ =	strace $0x9000004B  }
0xc5: {  	_ =	sfence  }
0xc6: {  	s30 =	sld [smem:$0x0];
	_ =	sdelay $0x2  }
0xc7: {  	s31 =	sshll.u32 s1, $0xD;
	s1 =	sshrl.u32 s1, $0x2  }
0xc8: {  	s4 =	sand.u32 $0x4000, s31;
	s1 =	sadd.s32 s1, s30  }
0xc9: {  	s0 =	sor.u32 s4, s0;
	s1 =	sshll.u32 s1, $0x11  }
0xca: {  	s0 =	sor.u32 s1, s0  }
0xcb: {  	s0 =	sadd.s32 $0x8F2B, s0  }
0xcc: {  	[sflag:s0] =	ssyncadd.remote.s32 $0x1  }
0xcd: {  	_ =	sfence.sel $0xFFFF  }
0xce: {  	[dreg:$0x0] =	wrdreg $0xFFFFFFFF;
	(pc) =	sbr.abs _section_cstart, $3  }
0xcf: {  	[dreg:$0x1] =	wrdreg $0xFFFFFFFF  }
0xd0: {  	_ =	task.clear_ibuf [dreg:s22], $0x2FFFF;
	_ =	strace $0x9FFFFFFF  }
0xd1: {  	(tm) =	ssettm $0x7FFFFFFF  }
tec
execute0_lowered:
.L_overlay_start_1:
0x0: {  	(tag) =	ssettag $0x1  }
0x1: {  	s0 =	rddreg [dreg:$0x0]  }
0x2: {  	s1 =	rddreg [dreg:$0x1];
	s3 =	simm.s32 $0x0;
	s2 =	srdreg.scid  }
0x3: {  	s19 =	stileid.u32;
	s28 =	simm.s32 $0x3;
	s29 =	simm.s32 $0x5  }
0x4: {  	s30 =	simm.s32 $0x4;
	s31 =	simm.s32 $0x6;
	s6 =	smul.u32 $0x13C00, s19  }
0x5: {  	[smem:$0x7FF] =	sst s3;
	s2 =	sand.u32 $0x1, s2;
	s8 =	smul.u32 $0x2800, s19  }
0x6: {  	s4 =	sadd.s32 $0xA1C00, s0;
	s15 =	sadd.s32 $0x5FAC00, s0;
	s24 =	smul.u32 $0x4F000, s19  }
0x7: {  	s17 =	sadd.s32 $0xF0C00, s0;
	s7 =	sadd.s32 $0x5FFC00, s0;
	s9 =	smul.u32 $0x50, s19  }
0x8: {  	s26 =	sshll.u32 s19, $0x6;
	s5 =	smul.u32 $0x13C000, s2;
	_ =	strace $0x8000004A  }
0x9: {  	[dreg:$0x3] =	wrdreg s7;
	s22 =	ssub.s32 $0x2, s2;
	s2 =	smul.u32 $0x28000, s2  }
0xa: {  	s23 =	sshrl.u32 s22, $0x1;
	s25 =	sshrl.u32 s24, $0x2;
	s12 =	sshrl.u32 s8, $0x3  }
0xb: {  	s14 =	sor.u32 $0x2, s9;
	s5 =	sadd.s32 s6, s5;
	s16 =	sadd.s32 s8, s2  }
0xc: {  	s18 =	sadd.s32 s25, s1;
	s6 =	sor.u32 $0x1C07, s26;
	s20 =	sshll.u32 s14, $0x7  }
0xd: {  	s21 =	sshll.u32 s14, $0x4;
	s5 =	sshrl.u32 s5, $0x3;
	s10 =	sshrl.u32 s16, $0x3  }
0xe: {  	s14 =	sadd.s32 s15, s21;
	s25 =	sor.u32 $0x180, s16;
	s18 =	sshrl.u32 s18, $0x3  }
0xf: {  	s21 =	simm.s32 $0x80;
	s0 =	sadd.s32 s5, s0;
	s5 =	ssub.s32 s22, s23  }
0x10: {  	s11 =	sadd.s32 s17, s10;
	s22 =	smul.u32 $0x500, s19;
	s23 =	sor.u32 $0x200, s16  }
0x11: {  	s26 =	sshrl.u32 s25, $0x3;
	s19 =	simm.s32 $0x7;
	s25 =	simm.s32 $0x2  }
0x12: {  	[dreg:$0x4] =	wrdreg s11;
	s11 =	sor.u32 $0x80, s8;
	s8 =	sadd.s32 s15, s12  }
0x13: {  	s12 =	smax.u32 s5, $0x1;
	s24 =	sshrl.u32 s23, $0x3;
	s23 =	simm.s32 $0x1  }
0x14: {  	s13 =	sadd.s32 s2, s11;
	s11 =	sshrl.u32 s11, $0x3;
	s2 =	sadd.s32 s2, s20  }
.Ltmp0:
0x15: {  	s16 =	sadd.s32 s24, s17;
	s20 =	simm.s32 $0x100;
	(pc) =	sbr.rel .LBB2_1-.Ltmp0, $4  }
0x16: {  	s24 =	simm.s32 $0x200;
	s9 =	sshrl.u32 s13, $0x3;
	s10 =	sadd.s32 s15, s11  }
0x17: {  	s2 =	sshrl.u32 s2, $0x3;
	s11 =	sadd.s32 $0x602400, s0;
	s15 =	sadd.s32 s22, s15  }
0x18: {  	s22 =	simm.s32 $0x180;
	s0 =	simm.s32 $0x0;
	s9 =	sadd.s32 s17, s9  }
0x19: {  	s13 =	sadd.s32 s17, s2;
	s17 =	sadd.s32 s26, s17;
	s26 =	simm.s32 $0x4200  }
.LBB2_4:
0x1a: {  	_ =	swait.ge [sflag:s30], $0x4000  }
0x1b: {  	[sflag:s30] =	ssyncset.done $0x0  }
0x1c: {  	[sflag:s30] =	ssyncadd.s32 $0xFFFFC000  }
0x1d: {  	[spmem:s1] =	stream.indirect.scatter.add.f32 [tilespmem:s26], [sflag:$0x6], $0x80, s22, s21, $0xb8;
	[tilespmem:$0x1BE00] =	vst v63  }
0x1e: {  	_ =	swait.ge [sflag:s29], $0x4000  }
0x1f: {  	[sflag:s29] =	ssyncset.done $0x0  }
0x20: {  	[sflag:s29] =	ssyncadd.s32 $0xFFFFC000  }
0x21: {  	_ =	swait.ge [sflag:s31], $0x4000  }
0x22: {  	s0 =	sadd.s32 $0x1, s0;
	[sflag:s31] =	ssyncset.done $0x0  }
0x23: {  	p0 =	sne.s32 s0, s12;
	[sflag:s31] =	ssyncadd.s32 $0xFFFFC000  }
.Ltmp1:
0x24: {  	[bflag:$0x0] =	sbarrier.arrive $0xFFFF;
	(pc) =	sbr.rel @!p0 .LBB2_5-.Ltmp1, $4  }
0x25: {  	[hbm:s11], [sflag:s6] =	dma.local [spmem:s18], $0x2780  }
0x26: {  	_ =	swait.ge [sflag:s19], $0x2780  }
0x27: {  	[sflag:s19] =	ssyncset.done $0x0  }
0x28: {  	[sflag:s19] =	ssyncadd.s32 $0xFFFFD880  }
.LBB2_1:
0x29: {  	s2 =	rddreg [dreg:$0x3]  }
0x2a: {  	[spmem:s18], [sflag:s6] =	dma.local [hbm:s2], $0x2780  }
0x2b: {  	_ =	swait.ge [sflag:s19], $0x2780  }
0x2c: {  	[sflag:s19] =	ssyncset.done $0x0  }
0x2d: {  	[sflag:s19] =	ssyncadd.s32 $0xFFFFD880  }
0x2e: {  	[bflag:$0x0] =	sbarrier.arrive $0xFFFF  }
0x2f: {  	s7 =	rddreg [dreg:$0x4]  }
0x30: {  	[tilespmem:s3], [sflag:$0x1] =	stream.linear.gather [hbm4b:s7+s3], $0x80, $0x38;
	[tilespmem:$0x1BE00] =	vst v63  }
0x31: {  	_ = 	snop  }
0x32: {  	[tilespmem:s20], [sflag:$0x1] =	stream.linear.gather [hbm4b:s8+s3], $0x80, $0x38;
	[tilespmem:$0x1BE00] =	vst v63  }
0x33: {  	_ = 	snop  }
0x34: {  	[tilespmem:s21], [sflag:$0x2] =	stream.linear.gather [hbm4b:s9+s3], $0x80, $0x38;
	[tilespmem:$0x1BE00] =	vst v63  }
0x35: {  	_ = 	snop  }
0x36: {  	[tilespmem:s22], [sflag:$0x2] =	stream.linear.gather [hbm4b:s10+s3], $0x80, $0x38;
	[tilespmem:$0x1BE00] =	vst v63  }
0x37: {  	_ =	swait.ge [sflag:s23], $0x80  }
0x38: {  	[sflag:s23] =	ssyncset.done $0x0  }
0x39: {  	[sflag:s23] =	ssyncadd.s32 $0xFFFFFF80  }
0x3a: {  	_ =	swait.ge [sflag:s23], $0x80  }
0x3b: {  	[sflag:s23] =	ssyncset.done $0x0  }
0x3c: {  	[sflag:s23] =	ssyncadd.s32 $0xFFFFFF80  }
0x3d: {  	[tilespmem:s24], [sflag:$0x3] =	stream.indirect.gather [hbm4b:s4+s21], $0x80, s3, s21, $0xb8;
	[tilespmem:$0x1BE00] =	vst v63  }
0x3e: {  	_ =	swait.ge [sflag:s25], $0x80  }
0x3f: {  	[sflag:s25] =	ssyncset.done $0x0  }
0x40: {  	[sflag:s25] =	ssyncadd.s32 $0xFFFFFF80  }
0x41: {  	_ =	swait.ge [sflag:s25], $0x80  }
0x42: {  	[sflag:s25] =	ssyncset.done $0x0  }
0x43: {  	[sflag:s25] =	ssyncadd.s32 $0xFFFFFF80  }
0x44: {  	[tilespmem:s26], [sflag:$0x4] =	stream.indirect.gather [hbm4b:s4+s21], $0x80, s21, s21, $0xb8;
	[tilespmem:$0x1BE00] =	vst v63  }
0x45: {  	_ =	swait.ge [sflag:s28], $0x4000  }
0x46: {  	[sflag:s28] =	ssyncset.done $0x0  }
0x47: {  	[sflag:s28] =	ssyncadd.s32 $0xFFFFC000  }
0x48: {  	[spmem:s1] =	stream.indirect.scatter.add.f32 [tilespmem:s24], [sflag:$0x5], $0x80, s20, s21, $0xb8;
	[tilespmem:$0x1BE00] =	vst v63  }
0x49: {  	_ = 	snop  }
0x4a: {  	[tilespmem:s3], [sflag:$0x1] =	stream.linear.gather [hbm4b:s13+s3], $0x80, $0x38;
	[tilespmem:$0x1BE00] =	vst v63  }
0x4b: {  	s2 =	simm.s32 $0x0  }
0x4c: {  	[tilespmem:s20], [sflag:$0x1] =	stream.linear.gather [hbm4b:s14+s3], $0x80, $0x38;
	[tilespmem:$0x1BE00] =	vst v63  }
.LBB2_2:
0x4d: {  	_ =	swait.ge [sflag:s23], $0x80  }
0x4e: {  	[sflag:s23] =	ssyncset.done $0x0  }
0x4f: {  	[sflag:s23] =	ssyncadd.s32 $0xFFFFFF80  }
0x50: {  	_ =	swait.ge [sflag:s23], $0x80  }
0x51: {  	[sflag:s23] =	ssyncset.done $0x0  }
0x52: {  	[sflag:s23] =	ssyncadd.s32 $0xFFFFFF80  }
0x53: {  	_ =	swait.ge [sflag:s29], $0x4000  }
0x54: {  	[sflag:s29] =	ssyncset.done $0x0  }
0x55: {  	[sflag:s29] =	ssyncadd.s32 $0xFFFFC000  }
0x56: {  	[tilespmem:s24], [sflag:$0x3] =	stream.indirect.gather [hbm4b:s4+s21], $0x80, s3, s21, $0xb8;
	[tilespmem:$0x1BE00] =	vst v63  }
0x57: {  	_ =	swait.ge [sflag:s30], $0x4000  }
0x58: {  	[sflag:s30] =	ssyncset.done $0x0  }
0x59: {  	[sflag:s30] =	ssyncadd.s32 $0xFFFFC000  }
0x5a: {  	[spmem:s1] =	stream.indirect.scatter.add.f32 [tilespmem:s26], [sflag:$0x6], $0x80, s22, s21, $0xb8;
	[tilespmem:$0x1BE00] =	vst v63  }
0x5b: {  	s5 =	sadd.s32 s2, s17  }
0x5c: {  	[tilespmem:s21], [sflag:$0x2] =	stream.linear.gather [hbm4b:s5+s3], $0x80, $0x38;
	[tilespmem:$0x1BE00] =	vst v63  }
0x5d: {  	s5 =	sadd.s32 s2, s15  }
0x5e: {  	s7 =	sadd.s32 $0x30, s5  }
0x5f: {  	[tilespmem:s22], [sflag:$0x2] =	stream.linear.gather [hbm4b:s7+s3], $0x80, $0x38;
	[tilespmem:$0x1BE00] =	vst v63  }
0x60: {  	_ =	swait.ge [sflag:s25], $0x80  }
0x61: {  	[sflag:s25] =	ssyncset.done $0x0  }
0x62: {  	[sflag:s25] =	ssyncadd.s32 $0xFFFFFF80  }
0x63: {  	_ =	swait.ge [sflag:s25], $0x80  }
0x64: {  	[sflag:s25] =	ssyncset.done $0x0  }
0x65: {  	[sflag:s25] =	ssyncadd.s32 $0xFFFFFF80  }
0x66: {  	_ =	swait.ge [sflag:s31], $0x4000  }
0x67: {  	[sflag:s31] =	ssyncset.done $0x0  }
0x68: {  	p0 =	seq.s32 s2, $0x4C0;
	[sflag:s31] =	ssyncadd.s32 $0xFFFFC000  }
0x69: {  	[tilespmem:s26], [sflag:$0x4] =	stream.indirect.gather [hbm4b:s4+s21], $0x80, s21, s21, $0xb8;
	[tilespmem:$0x1BE00] =	vst v63  }
.Ltmp2:
0x6a: {  	_ = 	snop;
	(pc) =	sbr.rel @p0 .LBB2_4-.Ltmp2, $4  }
0x6b: {  	_ =	swait.ge [sflag:s28], $0x4000  }
0x6c: {  	[sflag:s28] =	ssyncset.done $0x0  }
0x6d: {  	[sflag:s28] =	ssyncadd.s32 $0xFFFFC000  }
0x6e: {  	[spmem:s1] =	stream.indirect.scatter.add.f32 [tilespmem:s24], [sflag:$0x5], $0x80, s20, s21, $0xb8;
	[tilespmem:$0x1BE00] =	vst v63  }
.Ltmp3:
0x6f: {  	(pc) =	sbr.rel .LBB2_2-.Ltmp3, $4  }
0x70: {  	s7 =	sadd.s32 s2, s16  }
0x71: {  	[tilespmem:s3], [sflag:$0x1] =	stream.linear.gather [hbm4b:s7+s3], $0x80, $0x38;
	[tilespmem:$0x1BE00] =	vst v63  }
0x72: {  	s5 =	sadd.s32 $0x40, s5;
	s2 =	sadd.s32 $0x20, s2  }
0x73: {  	[tilespmem:s20], [sflag:$0x1] =	stream.linear.gather [hbm4b:s5+s3], $0x80, $0x38;
	[tilespmem:$0x1BE00] =	vst v63  }
.LBB2_5:
0x74: {  	_ =	sfence.sel $0x180000  }
0x75: {  	[bflag:$0x0] =	sbarrier.arrive $0xFFFF  }
0x76: {  	_ =	strace $0x9000004A  }
0x77: {  	s0 =	stileid.u32;
	[bflag:$0x2] =	sbarrier.arrive $0xFFFF  }
0x78: {  	p0 =	sne.s32 s0, $0x0;
	s0 =	rddreg [dreg:$0x2]  }
0x79: {  	s0 =	sadd.s32 @!p0 $0x100000, s0  }
0x7a: {  	[sflag:s0] =	ssyncadd.tile.s32 @!p0 $0x1;
	_ =	shalt  }
.Lfunc_end2:
_tile_overlayer_lowered:
.L_overlay_start_2:
0x7b: {  	(tag) =	ssettag $0x2  }
0x7c: {  	s0 =	rddreg [dreg:$0x0];
	s2 =	stileid.u32  }
0x7d: {  	s1 =	rddreg [dreg:$0x1];
	p0 =	sne.s32 s2, $0x0  }
0x7e: {  	s3 =	rddreg [dreg:$0x2];
	[bflag:$0x3] =	sbarrier.arrive $0xFFFF;
	s2 =	simm.s32 @!p0 $0x1C07  }
0x7f: {  	[timem:s3], [sflag:s2] =	dma.local @!p0 [hbm:s0], s1  }
0x80: {  	s0 =	simm.s32 @!p0 $0x7  }
0x81: {  	_ =	swait.ge @!p0 [sflag:s0], s1  }
0x82: {  	s1 =	ssub.s32 @!p0 $0x0, s1;
	[sflag:s0] =	ssyncset.done @!p0 $0x0  }
0x83: {  	[sflag:s0] =	ssyncadd.s32 @!p0 s1  }
0x84: {  	[bflag:$0x3] =	sbarrier.arrive $0xFFFF  }
0x85: {  	_ =	shalt  }

</sc_bundles>
